<compile_context>
chip_gen: v7x
topology: tpu7x:2x2x1
jax: 0.10.2.dev20260603
libtpu: 0.0.44.dev20260713+nightly
codegen_flags: <defaults>
</compile_context>

<pallas_src>
import functools

import jax
import jax.numpy as jnp
from jax import lax
from jax.experimental import pallas as pl
from jax.experimental.pallas import tpu as pltpu
from jax.experimental.pallas import tpu_sc as plsc

_FEAT = 64
_C = 100000
_B = 1024

_LAMB = max(5.0, 1500.0 / 1.1)
_COEF = 1.0 / (1.0 + _LAMB)
_C1 = 0.7071067811865476


def _sc_gather(w_flat, target_2d):
    info = plsc.get_sparse_core_info()
    nc, ns = info.num_cores, info.num_subcores
    nw = nc * ns
    rows_per_w = _FEAT // nw
    n_chunk = _B // 128
    mesh = plsc.VectorSubcoreMesh(core_axis_name="c", subcore_axis_name="s")

    @functools.partial(
        pl.kernel,
        mesh=mesh,
        out_type=jax.ShapeDtypeStruct((_FEAT, _B), jnp.float32),
        scratch_types=[
            pltpu.VMEM((n_chunk, 128), jnp.int32),
            pltpu.VMEM((rows_per_w, _B), jnp.float32),
            pltpu.SemaphoreType.DMA,
        ],
    )
    def gather_kernel(w_hbm, tgt_hbm, out_hbm, tgt_v, dat_v, sem):
        wid = lax.axis_index("s") * nc + lax.axis_index("c")
        d0 = wid * rows_per_w
        pltpu.sync_copy(tgt_hbm, tgt_v)
        copies = []
        for r in range(rows_per_w):
            row = w_hbm.at[pl.ds((d0 + r) * _C, _C)]
            for j in range(n_chunk):
                copies.append(pltpu.async_copy(
                    row.at[tgt_v.at[j]],
                    dat_v.at[r, pl.ds(j * 128, 128)],
                    sem))
        for c in copies:
            c.wait()
        pltpu.sync_copy(dat_v, out_hbm.at[pl.ds(d0, rows_per_w)])

    return gather_kernel(w_flat, target_2d)


def _tc_loss_body(x_ref, wg_ref, tcol_ref, trow_ref, out_ref):
    xv = x_ref[...]
    wg = wg_ref[...]
    xlen2 = jnp.sum(xv * xv, axis=1, keepdims=True)
    wn2 = jnp.sum(wg * wg, axis=0, keepdims=True)
    wgn = wg * lax.rsqrt(wn2)
    obase = jnp.dot(xv, wgn, preferred_element_type=jnp.float32,
                    precision=lax.Precision.DEFAULT)
    wgnt = wgn.T
    diag = jnp.sum(xv * wgnt, axis=1, keepdims=True)
    xlen = jnp.sqrt(xlen2)
    ct = jnp.clip(diag * lax.rsqrt(xlen2), -1.0, 1.0)
    ct2 = ct * ct
    cm = 8.0 * ct2 * ct2 - 8.0 * ct2 + 1.0
    kf = ((ct < _C1).astype(jnp.float32)
          + (ct < 0.0).astype(jnp.float32)
          + (ct < -_C1).astype(jnp.float32)
          + (ct <= -1.0).astype(jnp.float32))
    sign = jnp.where((kf == 1.0) | (kf == 3.0), -1.0, 1.0)
    phi = sign * cm - 2.0 * kf
    base = ct * xlen
    v = base + _COEF * (phi * xlen - base)
    mask = tcol_ref[...] == trow_ref[...]
    o = jnp.where(mask, v, obase)
    m = jnp.max(o, axis=0, keepdims=True)
    lse = m + jnp.log(jnp.sum(jnp.exp(o - m), axis=0, keepdims=True))
    loss = (jnp.sum(lse) - jnp.sum(v)) * (1.0 / _B)
    out_ref[...] = jnp.reshape(loss, (1, 1))


def _tc_loss(x, wg, t_col, t_row):
    return pl.pallas_call(
        _tc_loss_body,
        out_shape=jax.ShapeDtypeStruct((1, 1), jnp.float32),
    )(x, wg, t_col, t_row)


def kernel(input, target, W):
    w2 = lax.optimization_barrier(W.reshape(_FEAT * _C // 128, 128))
    w_flat = w2.reshape(-1)
    wg = _sc_gather(w_flat, target.reshape(_B // 128, 128))
    t_col = target.reshape(_B, 1)
    t_row = target.reshape(1, _B)
    loss = _tc_loss(input, wg, t_col, t_row)
    return loss[0, 0]

# --- scband reference (transcript-rebuilt; emitter-appended) ---
"""Pipeline reference for scband-sphere-loss-9990093930665 (READ-ONLY COPY).

The authoritative reference and input builder live on the scoring server;
editing this copy changes nothing except your own understanding.
"""

import jax, jax.numpy as jnp
import numpy as np

GAMMA = 0
M = 4
LAMBDA_MIN = 5.0
LAMBDA_MAX = 1500.0
FEAT_DIM = 64
C_DIM = 100000
BATCH = 1024


def setup_inputs(seed: int = 0) -> dict:
    key = jax.random.key(seed)
    k1, k2, k3 = jax.random.split(key, 3)
    x = jax.random.normal(k1, (BATCH, FEAT_DIM), dtype=jnp.float32)
    target = jax.random.randint(k2, (BATCH,), 0, C_DIM, dtype=jnp.int32)
    W = jax.random.normal(k3, (FEAT_DIM, C_DIM), dtype=jnp.float32)
    return {"input": x, "target": target, "W": W}


def _angle_linear(x, W):
    # torch: ww = w.renorm(2, 1, 1e-5).mul(1e5)  (column-wise renorm then rescale)
    wnorm = jnp.sqrt(jnp.sum(W * W, axis=0, keepdims=True))
    scale = jnp.where(wnorm > 1e-5, 1e-5 / jnp.maximum(wnorm, 1e-30), 1.0) * 1e5
    ww = W * scale
    xlen = jnp.sqrt(jnp.sum(x * x, axis=1))
    wlen = jnp.sqrt(jnp.sum(ww * ww, axis=0))
    cos_theta = (x @ ww) / xlen[:, None] / wlen[None, :]
    cos_theta = jnp.clip(cos_theta, -1.0, 1.0)
    # m = 4: cos(4*theta) = 8x^4 - 8x^2 + 1
    cos_m_theta = 8.0 * cos_theta ** 4 - 8.0 * cos_theta ** 2 + 1.0
    theta = jnp.arccos(jax.lax.stop_gradient(cos_theta))  # torch: cos_theta.data.acos()
    k = jnp.floor(M * theta / 3.14159265)
    n_one_pow_k = jnp.where(jnp.mod(k, 2.0) == 0.0, 1.0, -1.0)
    phi_theta = n_one_pow_k * cos_m_theta - 2.0 * k
    cos_theta = cos_theta * xlen[:, None]
    phi_theta = phi_theta * xlen[:, None]
    return cos_theta, phi_theta


def _sphere_loss(x, W, target):
    it = 1  # first forward call: self.it += 1 -> 1
    lamb = max(LAMBDA_MIN, LAMBDA_MAX / (1.0 + 0.1 * it))
    cos_theta, phi_theta = _angle_linear(x, W)
    B = cos_theta.shape[0]
    rows = jnp.arange(B)
    # index = zeros; index.scatter_(1, target, 1)  -> one-hot mask via scatter-set
    mask = jnp.zeros_like(cos_theta).at[rows, target].set(1.0)
    coef = 1.0 / (1.0 + lamb)
    output = cos_theta - mask * cos_theta * coef + mask * phi_theta * coef
    # NOTE: original code uses dim=0 (over batch) for log_softmax -- kept faithful
    logpt_full = jax.nn.log_softmax(output, axis=0)
    logpt = jnp.take_along_axis(logpt_full, target[:, None], axis=1)[:, 0]
    pt = jnp.exp(jax.lax.stop_gradient(logpt))
    loss = -1.0 * (1.0 - pt) ** GAMMA * logpt
    return jnp.mean(loss)


def reference(input, target, W):
    return _sphere_loss(input, W, target)

if __name__ == "__main__":
    import jax
    _d = setup_inputs()
    print(jax.jit(kernel)(*tuple(_d.values())))

</pallas_src>

<mosaic_0001>
#map = affine_map<(d0, d1) -> (0)>
#map1 = affine_map<(d0, d1) -> (0, 0)>
module attributes {stable_mosaic.version = 14 : i64} {
  func.func @gather_kernel(%arg0: i32, %arg1: i32, %arg2: memref<6400000xf32, #tpu.memory_space<hbm>>, %arg3: memref<8x128xi32, #tpu.memory_space<hbm>>, %arg4: memref<64x1024xf32, #tpu.memory_space<hbm>>, %arg5: memref<8x128xi32, #tpu.memory_space<vmem>>, %arg6: memref<2x1024xf32, #tpu.memory_space<vmem>>, %arg7: memref<!tpu.dma_semaphore, #tpu.memory_space<semaphore_mem>>) attributes {dimension_semantics = [#tpu.dimension_semantics<core_parallel>, #tpu.dimension_semantics<subcore_parallel>], iteration_bounds = array<i64: 2, 16>, scalar_prefetch = 0 : i64, scratch_operands = 3 : i64, tpu.core_type = #tpu.core_type<sc_vector_subcore>, window_params = [{transform_indices = #map}, {transform_indices = #map1}, {transform_indices = #map1}]} {
    %mul3A = arith.constant 2 : i32
    %mul3A_0 = arith.muli %arg1, %mul3A : i32
    %add3A = arith.addi %mul3A_0, %arg0 : i32
    %mul3A_1 = arith.constant 2 : i32
    %mul3A_2 = arith.muli %add3A, %mul3A_1 : i32
    "tpu.region"() ({
      %run_scoped3A = tpu.sem_alloc : memref<!tpu.dma_semaphore, #tpu.memory_space<semaphore_mem>>
      tpu.enqueue_dma source(%arg3 : memref<8x128xi32, #tpu.memory_space<hbm>>) target(%arg5 : memref<8x128xi32, #tpu.memory_space<vmem>>) target_semaphore(%run_scoped3A : memref<!tpu.dma_semaphore, #tpu.memory_space<semaphore_mem>>)
      tpu.wait_dma2 semaphore(%run_scoped3A : memref<!tpu.dma_semaphore, #tpu.memory_space<semaphore_mem>>) src(%arg3 : memref<8x128xi32, #tpu.memory_space<hbm>>) dst(%arg5 : memref<8x128xi32, #tpu.memory_space<vmem>>)
      tpu.yield
    }) : () -> ()
    %add3A_3 = arith.constant 0 : i32
    %add3A_4 = arith.addi %mul3A_2, %add3A_3 : i32
    %mul3A_5 = arith.constant 100000 : i32
    %mul3A_6 = arith.muli %add3A_4, %mul3A_5 : i32
    %dma_start3A = arith.constant 0 : i32
    %dma_start3A_7 = arith.constant 0 : i32
    %dma_start3A_8 = arith.constant 0 : i32
    %dma_start3A_9 = tpu.memref_slice %arg6[%dma_start3A_7, %dma_start3A_8] : memref<2x1024xf32, #tpu.memory_space<vmem>> -> memref<1x128xf32, #tpu.memory_space<vmem>>
    %dma_start3A_10 = tpu.memref_squeeze %dma_start3A_9 : memref<1x128xf32, #tpu.memory_space<vmem>> -> memref<128xf32, #tpu.memory_space<vmem>>
    %dma_start3A_11 = arith.constant 0 : i32
    %dma_start3A_12 = tpu.memref_slice %arg5[%dma_start3A, %dma_start3A_11] : memref<8x128xi32, #tpu.memory_space<vmem>> -> memref<1x128xi32, #tpu.memory_space<vmem>>
    %dma_start3A_13 = tpu.memref_squeeze %dma_start3A_12 : memref<1x128xi32, #tpu.memory_space<vmem>> -> memref<128xi32, #tpu.memory_space<vmem>>
    %dma_start3A_14 = tpu.memref_slice %arg2[%mul3A_6] : memref<6400000xf32, #tpu.memory_space<hbm>> -> memref<100000xf32, #tpu.memory_space<hbm>>
    %dma_start3A_15 = arith.constant 0 : i32
    %dma_start3A_16 = tpu.memref_slice %dma_start3A_14[%dma_start3A_15] : memref<100000xf32, #tpu.memory_space<hbm>> -> memref<100000xf32, #tpu.memory_space<hbm>>
    tpu.enqueue_indirect_dma source(%dma_start3A_16 : memref<100000xf32, #tpu.memory_space<hbm>>) target(%dma_start3A_10 : memref<128xf32, #tpu.memory_space<vmem>>) offsets(%dma_start3A_13 : memref<128xi32, #tpu.memory_space<vmem>>) semaphore(%arg7 : memref<!tpu.dma_semaphore, #tpu.memory_space<semaphore_mem>>)
    %dma_start3A_17 = arith.constant 1 : i32
    %dma_start3A_18 = arith.constant 0 : i32
    %dma_start3A_19 = arith.constant 128 : i32
    %dma_start3A_20 = tpu.memref_slice %arg6[%dma_start3A_18, %dma_start3A_19] : memref<2x1024xf32, #tpu.memory_space<vmem>> -> memref<1x128xf32, #tpu.memory_space<vmem>>
    %dma_start3A_21 = tpu.memref_squeeze %dma_start3A_20 : memref<1x128xf32, #tpu.memory_space<vmem>> -> memref<128xf32, #tpu.memory_space<vmem>>
    %dma_start3A_22 = arith.constant 0 : i32
    %dma_start3A_23 = tpu.memref_slice %arg5[%dma_start3A_17, %dma_start3A_22] : memref<8x128xi32, #tpu.memory_space<vmem>> -> memref<1x128xi32, #tpu.memory_space<vmem>>
    %dma_start3A_24 = tpu.memref_squeeze %dma_start3A_23 : memref<1x128xi32, #tpu.memory_space<vmem>> -> memref<128xi32, #tpu.memory_space<vmem>>
    %dma_start3A_25 = tpu.memref_slice %arg2[%mul3A_6] : memref<6400000xf32, #tpu.memory_space<hbm>> -> memref<100000xf32, #tpu.memory_space<hbm>>
    %dma_start3A_26 = arith.constant 0 : i32
    %dma_start3A_27 = tpu.memref_slice %dma_start3A_25[%dma_start3A_26] : memref<100000xf32, #tpu.memory_space<hbm>> -> memref<100000xf32, #tpu.memory_space<hbm>>
    tpu.enqueue_indirect_dma source(%dma_start3A_27 : memref<100000xf32, #tpu.memory_space<hbm>>) target(%dma_start3A_21 : memref<128xf32, #tpu.memory_space<vmem>>) offsets(%dma_start3A_24 : memref<128xi32, #tpu.memory_space<vmem>>) semaphore(%arg7 : memref<!tpu.dma_semaphore, #tpu.memory_space<semaphore_mem>>)
    %dma_start3A_28 = arith.constant 2 : i32
    %dma_start3A_29 = arith.constant 0 : i32
    %dma_start3A_30 = arith.constant 256 : i32
    %dma_start3A_31 = tpu.memref_slice %arg6[%dma_start3A_29, %dma_start3A_30] : memref<2x1024xf32, #tpu.memory_space<vmem>> -> memref<1x128xf32, #tpu.memory_space<vmem>>
    %dma_start3A_32 = tpu.memref_squeeze %dma_start3A_31 : memref<1x128xf32, #tpu.memory_space<vmem>> -> memref<128xf32, #tpu.memory_space<vmem>>
    %dma_start3A_33 = arith.constant 0 : i32
    %dma_start3A_34 = tpu.memref_slice %arg5[%dma_start3A_28, %dma_start3A_33] : memref<8x128xi32, #tpu.memory_space<vmem>> -> memref<1x128xi32, #tpu.memory_space<vmem>>
    %dma_start3A_35 = tpu.memref_squeeze %dma_start3A_34 : memref<1x128xi32, #tpu.memory_space<vmem>> -> memref<128xi32, #tpu.memory_space<vmem>>
    %dma_start3A_36 = tpu.memref_slice %arg2[%mul3A_6] : memref<6400000xf32, #tpu.memory_space<hbm>> -> memref<100000xf32, #tpu.memory_space<hbm>>
    %dma_start3A_37 = arith.constant 0 : i32
    %dma_start3A_38 = tpu.memref_slice %dma_start3A_36[%dma_start3A_37] : memref<100000xf32, #tpu.memory_space<hbm>> -> memref<100000xf32, #tpu.memory_space<hbm>>
    tpu.enqueue_indirect_dma source(%dma_start3A_38 : memref<100000xf32, #tpu.memory_space<hbm>>) target(%dma_start3A_32 : memref<128xf32, #tpu.memory_space<vmem>>) offsets(%dma_start3A_35 : memref<128xi32, #tpu.memory_space<vmem>>) semaphore(%arg7 : memref<!tpu.dma_semaphore, #tpu.memory_space<semaphore_mem>>)
    %dma_start3A_39 = arith.constant 3 : i32
    %dma_start3A_40 = arith.constant 0 : i32
    %dma_start3A_41 = arith.constant 384 : i32
    %dma_start3A_42 = tpu.memref_slice %arg6[%dma_start3A_40, %dma_start3A_41] : memref<2x1024xf32, #tpu.memory_space<vmem>> -> memref<1x128xf32, #tpu.memory_space<vmem>>
    %dma_start3A_43 = tpu.memref_squeeze %dma_start3A_42 : memref<1x128xf32, #tpu.memory_space<vmem>> -> memref<128xf32, #tpu.memory_space<vmem>>
    %dma_start3A_44 = arith.constant 0 : i32
    %dma_start3A_45 = tpu.memref_slice %arg5[%dma_start3A_39, %dma_start3A_44] : memref<8x128xi32, #tpu.memory_space<vmem>> -> memref<1x128xi32, #tpu.memory_space<vmem>>
    %dma_start3A_46 = tpu.memref_squeeze %dma_start3A_45 : memref<1x128xi32, #tpu.memory_space<vmem>> -> memref<128xi32, #tpu.memory_space<vmem>>
    %dma_start3A_47 = tpu.memref_slice %arg2[%mul3A_6] : memref<6400000xf32, #tpu.memory_space<hbm>> -> memref<100000xf32, #tpu.memory_space<hbm>>
    %dma_start3A_48 = arith.constant 0 : i32
    %dma_start3A_49 = tpu.memref_slice %dma_start3A_47[%dma_start3A_48] : memref<100000xf32, #tpu.memory_space<hbm>> -> memref<100000xf32, #tpu.memory_space<hbm>>
    tpu.enqueue_indirect_dma source(%dma_start3A_49 : memref<100000xf32, #tpu.memory_space<hbm>>) target(%dma_start3A_43 : memref<128xf32, #tpu.memory_space<vmem>>) offsets(%dma_start3A_46 : memref<128xi32, #tpu.memory_space<vmem>>) semaphore(%arg7 : memref<!tpu.dma_semaphore, #tpu.memory_space<semaphore_mem>>)
    %dma_start3A_50 = arith.constant 4 : i32
    %dma_start3A_51 = arith.constant 0 : i32
    %dma_start3A_52 = arith.constant 512 : i32
    %dma_start3A_53 = tpu.memref_slice %arg6[%dma_start3A_51, %dma_start3A_52] : memref<2x1024xf32, #tpu.memory_space<vmem>> -> memref<1x128xf32, #tpu.memory_space<vmem>>
    %dma_start3A_54 = tpu.memref_squeeze %dma_start3A_53 : memref<1x128xf32, #tpu.memory_space<vmem>> -> memref<128xf32, #tpu.memory_space<vmem>>
    %dma_start3A_55 = arith.constant 0 : i32
    %dma_start3A_56 = tpu.memref_slice %arg5[%dma_start3A_50, %dma_start3A_55] : memref<8x128xi32, #tpu.memory_space<vmem>> -> memref<1x128xi32, #tpu.memory_space<vmem>>
    %dma_start3A_57 = tpu.memref_squeeze %dma_start3A_56 : memref<1x128xi32, #tpu.memory_space<vmem>> -> memref<128xi32, #tpu.memory_space<vmem>>
    %dma_start3A_58 = tpu.memref_slice %arg2[%mul3A_6] : memref<6400000xf32, #tpu.memory_space<hbm>> -> memref<100000xf32, #tpu.memory_space<hbm>>
    %dma_start3A_59 = arith.constant 0 : i32
    %dma_start3A_60 = tpu.memref_slice %dma_start3A_58[%dma_start3A_59] : memref<100000xf32, #tpu.memory_space<hbm>> -> memref<100000xf32, #tpu.memory_space<hbm>>
    tpu.enqueue_indirect_dma source(%dma_start3A_60 : memref<100000xf32, #tpu.memory_space<hbm>>) target(%dma_start3A_54 : memref<128xf32, #tpu.memory_space<vmem>>) offsets(%dma_start3A_57 : memref<128xi32, #tpu.memory_space<vmem>>) semaphore(%arg7 : memref<!tpu.dma_semaphore, #tpu.memory_space<semaphore_mem>>)
    %dma_start3A_61 = arith.constant 5 : i32
    %dma_start3A_62 = arith.constant 0 : i32
    %dma_start3A_63 = arith.constant 640 : i32
    %dma_start3A_64 = tpu.memref_slice %arg6[%dma_start3A_62, %dma_start3A_63] : memref<2x1024xf32, #tpu.memory_space<vmem>> -> memref<1x128xf32, #tpu.memory_space<vmem>>
    %dma_start3A_65 = tpu.memref_squeeze %dma_start3A_64 : memref<1x128xf32, #tpu.memory_space<vmem>> -> memref<128xf32, #tpu.memory_space<vmem>>
    %dma_start3A_66 = arith.constant 0 : i32
    %dma_start3A_67 = tpu.memref_slice %arg5[%dma_start3A_61, %dma_start3A_66] : memref<8x128xi32, #tpu.memory_space<vmem>> -> memref<1x128xi32, #tpu.memory_space<vmem>>
    %dma_start3A_68 = tpu.memref_squeeze %dma_start3A_67 : memref<1x128xi32, #tpu.memory_space<vmem>> -> memref<128xi32, #tpu.memory_space<vmem>>
    %dma_start3A_69 = tpu.memref_slice %arg2[%mul3A_6] : memref<6400000xf32, #tpu.memory_space<hbm>> -> memref<100000xf32, #tpu.memory_space<hbm>>
    %dma_start3A_70 = arith.constant 0 : i32
    %dma_start3A_71 = tpu.memref_slice %dma_start3A_69[%dma_start3A_70] : memref<100000xf32, #tpu.memory_space<hbm>> -> memref<100000xf32, #tpu.memory_space<hbm>>
    tpu.enqueue_indirect_dma source(%dma_start3A_71 : memref<100000xf32, #tpu.memory_space<hbm>>) target(%dma_start3A_65 : memref<128xf32, #tpu.memory_space<vmem>>) offsets(%dma_start3A_68 : memref<128xi32, #tpu.memory_space<vmem>>) semaphore(%arg7 : memref<!tpu.dma_semaphore, #tpu.memory_space<semaphore_mem>>)
    %dma_start3A_72 = arith.constant 6 : i32
    %dma_start3A_73 = arith.constant 0 : i32
    %dma_start3A_74 = arith.constant 768 : i32
    %dma_start3A_75 = tpu.memref_slice %arg6[%dma_start3A_73, %dma_start3A_74] : memref<2x1024xf32, #tpu.memory_space<vmem>> -> memref<1x128xf32, #tpu.memory_space<vmem>>
    %dma_start3A_76 = tpu.memref_squeeze %dma_start3A_75 : memref<1x128xf32, #tpu.memory_space<vmem>> -> memref<128xf32, #tpu.memory_space<vmem>>
    %dma_start3A_77 = arith.constant 0 : i32
    %dma_start3A_78 = tpu.memref_slice %arg5[%dma_start3A_72, %dma_start3A_77] : memref<8x128xi32, #tpu.memory_space<vmem>> -> memref<1x128xi32, #tpu.memory_space<vmem>>
    %dma_start3A_79 = tpu.memref_squeeze %dma_start3A_78 : memref<1x128xi32, #tpu.memory_space<vmem>> -> memref<128xi32, #tpu.memory_space<vmem>>
    %dma_start3A_80 = tpu.memref_slice %arg2[%mul3A_6] : memref<6400000xf32, #tpu.memory_space<hbm>> -> memref<100000xf32, #tpu.memory_space<hbm>>
    %dma_start3A_81 = arith.constant 0 : i32
    %dma_start3A_82 = tpu.memref_slice %dma_start3A_80[%dma_start3A_81] : memref<100000xf32, #tpu.memory_space<hbm>> -> memref<100000xf32, #tpu.memory_space<hbm>>
    tpu.enqueue_indirect_dma source(%dma_start3A_82 : memref<100000xf32, #tpu.memory_space<hbm>>) target(%dma_start3A_76 : memref<128xf32, #tpu.memory_space<vmem>>) offsets(%dma_start3A_79 : memref<128xi32, #tpu.memory_space<vmem>>) semaphore(%arg7 : memref<!tpu.dma_semaphore, #tpu.memory_space<semaphore_mem>>)
    %dma_start3A_83 = arith.constant 7 : i32
    %dma_start3A_84 = arith.constant 0 : i32
    %dma_start3A_85 = arith.constant 896 : i32
    %dma_start3A_86 = tpu.memref_slice %arg6[%dma_start3A_84, %dma_start3A_85] : memref<2x1024xf32, #tpu.memory_space<vmem>> -> memref<1x128xf32, #tpu.memory_space<vmem>>
    %dma_start3A_87 = tpu.memref_squeeze %dma_start3A_86 : memref<1x128xf32, #tpu.memory_space<vmem>> -> memref<128xf32, #tpu.memory_space<vmem>>
    %dma_start3A_88 = arith.constant 0 : i32
    %dma_start3A_89 = tpu.memref_slice %arg5[%dma_start3A_83, %dma_start3A_88] : memref<8x128xi32, #tpu.memory_space<vmem>> -> memref<1x128xi32, #tpu.memory_space<vmem>>
    %dma_start3A_90 = tpu.memref_squeeze %dma_start3A_89 : memref<1x128xi32, #tpu.memory_space<vmem>> -> memref<128xi32, #tpu.memory_space<vmem>>
    %dma_start3A_91 = tpu.memref_slice %arg2[%mul3A_6] : memref<6400000xf32, #tpu.memory_space<hbm>> -> memref<100000xf32, #tpu.memory_space<hbm>>
    %dma_start3A_92 = arith.constant 0 : i32
    %dma_start3A_93 = tpu.memref_slice %dma_start3A_91[%dma_start3A_92] : memref<100000xf32, #tpu.memory_space<hbm>> -> memref<100000xf32, #tpu.memory_space<hbm>>
    tpu.enqueue_indirect_dma source(%dma_start3A_93 : memref<100000xf32, #tpu.memory_space<hbm>>) target(%dma_start3A_87 : memref<128xf32, #tpu.memory_space<vmem>>) offsets(%dma_start3A_90 : memref<128xi32, #tpu.memory_space<vmem>>) semaphore(%arg7 : memref<!tpu.dma_semaphore, #tpu.memory_space<semaphore_mem>>)
    %add3A_94 = arith.constant 1 : i32
    %add3A_95 = arith.addi %mul3A_2, %add3A_94 : i32
    %mul3A_96 = arith.constant 100000 : i32
    %mul3A_97 = arith.muli %add3A_95, %mul3A_96 : i32
    %dma_start3A_98 = arith.constant 0 : i32
    %dma_start3A_99 = arith.constant 1 : i32
    %dma_start3A_100 = arith.constant 0 : i32
    %dma_start3A_101 = tpu.memref_slice %arg6[%dma_start3A_99, %dma_start3A_100] : memref<2x1024xf32, #tpu.memory_space<vmem>> -> memref<1x128xf32, #tpu.memory_space<vmem>>
    %dma_start3A_102 = tpu.memref_squeeze %dma_start3A_101 : memref<1x128xf32, #tpu.memory_space<vmem>> -> memref<128xf32, #tpu.memory_space<vmem>>
    %dma_start3A_103 = arith.constant 0 : i32
    %dma_start3A_104 = tpu.memref_slice %arg5[%dma_start3A_98, %dma_start3A_103] : memref<8x128xi32, #tpu.memory_space<vmem>> -> memref<1x128xi32, #tpu.memory_space<vmem>>
    %dma_start3A_105 = tpu.memref_squeeze %dma_start3A_104 : memref<1x128xi32, #tpu.memory_space<vmem>> -> memref<128xi32, #tpu.memory_space<vmem>>
    %dma_start3A_106 = tpu.memref_slice %arg2[%mul3A_97] : memref<6400000xf32, #tpu.memory_space<hbm>> -> memref<100000xf32, #tpu.memory_space<hbm>>
    %dma_start3A_107 = arith.constant 0 : i32
    %dma_start3A_108 = tpu.memref_slice %dma_start3A_106[%dma_start3A_107] : memref<100000xf32, #tpu.memory_space<hbm>> -> memref<100000xf32, #tpu.memory_space<hbm>>
    tpu.enqueue_indirect_dma source(%dma_start3A_108 : memref<100000xf32, #tpu.memory_space<hbm>>) target(%dma_start3A_102 : memref<128xf32, #tpu.memory_space<vmem>>) offsets(%dma_start3A_105 : memref<128xi32, #tpu.memory_space<vmem>>) semaphore(%arg7 : memref<!tpu.dma_semaphore, #tpu.memory_space<semaphore_mem>>)
    %dma_start3A_109 = arith.constant 1 : i32
    %dma_start3A_110 = arith.constant 1 : i32
    %dma_start3A_111 = arith.constant 128 : i32
    %dma_start3A_112 = tpu.memref_slice %arg6[%dma_start3A_110, %dma_start3A_111] : memref<2x1024xf32, #tpu.memory_space<vmem>> -> memref<1x128xf32, #tpu.memory_space<vmem>>
    %dma_start3A_113 = tpu.memref_squeeze %dma_start3A_112 : memref<1x128xf32, #tpu.memory_space<vmem>> -> memref<128xf32, #tpu.memory_space<vmem>>
    %dma_start3A_114 = arith.constant 0 : i32
    %dma_start3A_115 = tpu.memref_slice %arg5[%dma_start3A_109, %dma_start3A_114] : memref<8x128xi32, #tpu.memory_space<vmem>> -> memref<1x128xi32, #tpu.memory_space<vmem>>
    %dma_start3A_116 = tpu.memref_squeeze %dma_start3A_115 : memref<1x128xi32, #tpu.memory_space<vmem>> -> memref<128xi32, #tpu.memory_space<vmem>>
    %dma_start3A_117 = tpu.memref_slice %arg2[%mul3A_97] : memref<6400000xf32, #tpu.memory_space<hbm>> -> memref<100000xf32, #tpu.memory_space<hbm>>
    %dma_start3A_118 = arith.constant 0 : i32
    %dma_start3A_119 = tpu.memref_slice %dma_start3A_117[%dma_start3A_118] : memref<100000xf32, #tpu.memory_space<hbm>> -> memref<100000xf32, #tpu.memory_space<hbm>>
    tpu.enqueue_indirect_dma source(%dma_start3A_119 : memref<100000xf32, #tpu.memory_space<hbm>>) target(%dma_start3A_113 : memref<128xf32, #tpu.memory_space<vmem>>) offsets(%dma_start3A_116 : memref<128xi32, #tpu.memory_space<vmem>>) semaphore(%arg7 : memref<!tpu.dma_semaphore, #tpu.memory_space<semaphore_mem>>)
    %dma_start3A_120 = arith.constant 2 : i32
    %dma_start3A_121 = arith.constant 1 : i32
    %dma_start3A_122 = arith.constant 256 : i32
    %dma_start3A_123 = tpu.memref_slice %arg6[%dma_start3A_121, %dma_start3A_122] : memref<2x1024xf32, #tpu.memory_space<vmem>> -> memref<1x128xf32, #tpu.memory_space<vmem>>
    %dma_start3A_124 = tpu.memref_squeeze %dma_start3A_123 : memref<1x128xf32, #tpu.memory_space<vmem>> -> memref<128xf32, #tpu.memory_space<vmem>>
    %dma_start3A_125 = arith.constant 0 : i32
    %dma_start3A_126 = tpu.memref_slice %arg5[%dma_start3A_120, %dma_start3A_125] : memref<8x128xi32, #tpu.memory_space<vmem>> -> memref<1x128xi32, #tpu.memory_space<vmem>>
    %dma_start3A_127 = tpu.memref_squeeze %dma_start3A_126 : memref<1x128xi32, #tpu.memory_space<vmem>> -> memref<128xi32, #tpu.memory_space<vmem>>
    %dma_start3A_128 = tpu.memref_slice %arg2[%mul3A_97] : memref<6400000xf32, #tpu.memory_space<hbm>> -> memref<100000xf32, #tpu.memory_space<hbm>>
    %dma_start3A_129 = arith.constant 0 : i32
    %dma_start3A_130 = tpu.memref_slice %dma_start3A_128[%dma_start3A_129] : memref<100000xf32, #tpu.memory_space<hbm>> -> memref<100000xf32, #tpu.memory_space<hbm>>
    tpu.enqueue_indirect_dma source(%dma_start3A_130 : memref<100000xf32, #tpu.memory_space<hbm>>) target(%dma_start3A_124 : memref<128xf32, #tpu.memory_space<vmem>>) offsets(%dma_start3A_127 : memref<128xi32, #tpu.memory_space<vmem>>) semaphore(%arg7 : memref<!tpu.dma_semaphore, #tpu.memory_space<semaphore_mem>>)
    %dma_start3A_131 = arith.constant 3 : i32
    %dma_start3A_132 = arith.constant 1 : i32
    %dma_start3A_133 = arith.constant 384 : i32
    %dma_start3A_134 = tpu.memref_slice %arg6[%dma_start3A_132, %dma_start3A_133] : memref<2x1024xf32, #tpu.memory_space<vmem>> -> memref<1x128xf32, #tpu.memory_space<vmem>>
    %dma_start3A_135 = tpu.memref_squeeze %dma_start3A_134 : memref<1x128xf32, #tpu.memory_space<vmem>> -> memref<128xf32, #tpu.memory_space<vmem>>
    %dma_start3A_136 = arith.constant 0 : i32
    %dma_start3A_137 = tpu.memref_slice %arg5[%dma_start3A_131, %dma_start3A_136] : memref<8x128xi32, #tpu.memory_space<vmem>> -> memref<1x128xi32, #tpu.memory_space<vmem>>
    %dma_start3A_138 = tpu.memref_squeeze %dma_start3A_137 : memref<1x128xi32, #tpu.memory_space<vmem>> -> memref<128xi32, #tpu.memory_space<vmem>>
    %dma_start3A_139 = tpu.memref_slice %arg2[%mul3A_97] : memref<6400000xf32, #tpu.memory_space<hbm>> -> memref<100000xf32, #tpu.memory_space<hbm>>
    %dma_start3A_140 = arith.constant 0 : i32
    %dma_start3A_141 = tpu.memref_slice %dma_start3A_139[%dma_start3A_140] : memref<100000xf32, #tpu.memory_space<hbm>> -> memref<100000xf32, #tpu.memory_space<hbm>>
    tpu.enqueue_indirect_dma source(%dma_start3A_141 : memref<100000xf32, #tpu.memory_space<hbm>>) target(%dma_start3A_135 : memref<128xf32, #tpu.memory_space<vmem>>) offsets(%dma_start3A_138 : memref<128xi32, #tpu.memory_space<vmem>>) semaphore(%arg7 : memref<!tpu.dma_semaphore, #tpu.memory_space<semaphore_mem>>)
    %dma_start3A_142 = arith.constant 4 : i32
    %dma_start3A_143 = arith.constant 1 : i32
    %dma_start3A_144 = arith.constant 512 : i32
    %dma_start3A_145 = tpu.memref_slice %arg6[%dma_start3A_143, %dma_start3A_144] : memref<2x1024xf32, #tpu.memory_space<vmem>> -> memref<1x128xf32, #tpu.memory_space<vmem>>
    %dma_start3A_146 = tpu.memref_squeeze %dma_start3A_145 : memref<1x128xf32, #tpu.memory_space<vmem>> -> memref<128xf32, #tpu.memory_space<vmem>>
    %dma_start3A_147 = arith.constant 0 : i32
    %dma_start3A_148 = tpu.memref_slice %arg5[%dma_start3A_142, %dma_start3A_147] : memref<8x128xi32, #tpu.memory_space<vmem>> -> memref<1x128xi32, #tpu.memory_space<vmem>>
    %dma_start3A_149 = tpu.memref_squeeze %dma_start3A_148 : memref<1x128xi32, #tpu.memory_space<vmem>> -> memref<128xi32, #tpu.memory_space<vmem>>
    %dma_start3A_150 = tpu.memref_slice %arg2[%mul3A_97] : memref<6400000xf32, #tpu.memory_space<hbm>> -> memref<100000xf32, #tpu.memory_space<hbm>>
    %dma_start3A_151 = arith.constant 0 : i32
    %dma_start3A_152 = tpu.memref_slice %dma_start3A_150[%dma_start3A_151] : memref<100000xf32, #tpu.memory_space<hbm>> -> memref<100000xf32, #tpu.memory_space<hbm>>
    tpu.enqueue_indirect_dma source(%dma_start3A_152 : memref<100000xf32, #tpu.memory_space<hbm>>) target(%dma_start3A_146 : memref<128xf32, #tpu.memory_space<vmem>>) offsets(%dma_start3A_149 : memref<128xi32, #tpu.memory_space<vmem>>) semaphore(%arg7 : memref<!tpu.dma_semaphore, #tpu.memory_space<semaphore_mem>>)
    %dma_start3A_153 = arith.constant 5 : i32
    %dma_start3A_154 = arith.constant 1 : i32
    %dma_start3A_155 = arith.constant 640 : i32
    %dma_start3A_156 = tpu.memref_slice %arg6[%dma_start3A_154, %dma_start3A_155] : memref<2x1024xf32, #tpu.memory_space<vmem>> -> memref<1x128xf32, #tpu.memory_space<vmem>>
    %dma_start3A_157 = tpu.memref_squeeze %dma_start3A_156 : memref<1x128xf32, #tpu.memory_space<vmem>> -> memref<128xf32, #tpu.memory_space<vmem>>
    %dma_start3A_158 = arith.constant 0 : i32
    %dma_start3A_159 = tpu.memref_slice %arg5[%dma_start3A_153, %dma_start3A_158] : memref<8x128xi32, #tpu.memory_space<vmem>> -> memref<1x128xi32, #tpu.memory_space<vmem>>
    %dma_start3A_160 = tpu.memref_squeeze %dma_start3A_159 : memref<1x128xi32, #tpu.memory_space<vmem>> -> memref<128xi32, #tpu.memory_space<vmem>>
    %dma_start3A_161 = tpu.memref_slice %arg2[%mul3A_97] : memref<6400000xf32, #tpu.memory_space<hbm>> -> memref<100000xf32, #tpu.memory_space<hbm>>
    %dma_start3A_162 = arith.constant 0 : i32
    %dma_start3A_163 = tpu.memref_slice %dma_start3A_161[%dma_start3A_162] : memref<100000xf32, #tpu.memory_space<hbm>> -> memref<100000xf32, #tpu.memory_space<hbm>>
    tpu.enqueue_indirect_dma source(%dma_start3A_163 : memref<100000xf32, #tpu.memory_space<hbm>>) target(%dma_start3A_157 : memref<128xf32, #tpu.memory_space<vmem>>) offsets(%dma_start3A_160 : memref<128xi32, #tpu.memory_space<vmem>>) semaphore(%arg7 : memref<!tpu.dma_semaphore, #tpu.memory_space<semaphore_mem>>)
    %dma_start3A_164 = arith.constant 6 : i32
    %dma_start3A_165 = arith.constant 1 : i32
    %dma_start3A_166 = arith.constant 768 : i32
    %dma_start3A_167 = tpu.memref_slice %arg6[%dma_start3A_165, %dma_start3A_166] : memref<2x1024xf32, #tpu.memory_space<vmem>> -> memref<1x128xf32, #tpu.memory_space<vmem>>
    %dma_start3A_168 = tpu.memref_squeeze %dma_start3A_167 : memref<1x128xf32, #tpu.memory_space<vmem>> -> memref<128xf32, #tpu.memory_space<vmem>>
    %dma_start3A_169 = arith.constant 0 : i32
    %dma_start3A_170 = tpu.memref_slice %arg5[%dma_start3A_164, %dma_start3A_169] : memref<8x128xi32, #tpu.memory_space<vmem>> -> memref<1x128xi32, #tpu.memory_space<vmem>>
    %dma_start3A_171 = tpu.memref_squeeze %dma_start3A_170 : memref<1x128xi32, #tpu.memory_space<vmem>> -> memref<128xi32, #tpu.memory_space<vmem>>
    %dma_start3A_172 = tpu.memref_slice %arg2[%mul3A_97] : memref<6400000xf32, #tpu.memory_space<hbm>> -> memref<100000xf32, #tpu.memory_space<hbm>>
    %dma_start3A_173 = arith.constant 0 : i32
    %dma_start3A_174 = tpu.memref_slice %dma_start3A_172[%dma_start3A_173] : memref<100000xf32, #tpu.memory_space<hbm>> -> memref<100000xf32, #tpu.memory_space<hbm>>
    tpu.enqueue_indirect_dma source(%dma_start3A_174 : memref<100000xf32, #tpu.memory_space<hbm>>) target(%dma_start3A_168 : memref<128xf32, #tpu.memory_space<vmem>>) offsets(%dma_start3A_171 : memref<128xi32, #tpu.memory_space<vmem>>) semaphore(%arg7 : memref<!tpu.dma_semaphore, #tpu.memory_space<semaphore_mem>>)
    %dma_start3A_175 = arith.constant 7 : i32
    %dma_start3A_176 = arith.constant 1 : i32
    %dma_start3A_177 = arith.constant 896 : i32
    %dma_start3A_178 = tpu.memref_slice %arg6[%dma_start3A_176, %dma_start3A_177] : memref<2x1024xf32, #tpu.memory_space<vmem>> -> memref<1x128xf32, #tpu.memory_space<vmem>>
    %dma_start3A_179 = tpu.memref_squeeze %dma_start3A_178 : memref<1x128xf32, #tpu.memory_space<vmem>> -> memref<128xf32, #tpu.memory_space<vmem>>
    %dma_start3A_180 = arith.constant 0 : i32
    %dma_start3A_181 = tpu.memref_slice %arg5[%dma_start3A_175, %dma_start3A_180] : memref<8x128xi32, #tpu.memory_space<vmem>> -> memref<1x128xi32, #tpu.memory_space<vmem>>
    %dma_start3A_182 = tpu.memref_squeeze %dma_start3A_181 : memref<1x128xi32, #tpu.memory_space<vmem>> -> memref<128xi32, #tpu.memory_space<vmem>>
    %dma_start3A_183 = tpu.memref_slice %arg2[%mul3A_97] : memref<6400000xf32, #tpu.memory_space<hbm>> -> memref<100000xf32, #tpu.memory_space<hbm>>
    %dma_start3A_184 = arith.constant 0 : i32
    %dma_start3A_185 = tpu.memref_slice %dma_start3A_183[%dma_start3A_184] : memref<100000xf32, #tpu.memory_space<hbm>> -> memref<100000xf32, #tpu.memory_space<hbm>>
    tpu.enqueue_indirect_dma source(%dma_start3A_185 : memref<100000xf32, #tpu.memory_space<hbm>>) target(%dma_start3A_179 : memref<128xf32, #tpu.memory_space<vmem>>) offsets(%dma_start3A_182 : memref<128xi32, #tpu.memory_space<vmem>>) semaphore(%arg7 : memref<!tpu.dma_semaphore, #tpu.memory_space<semaphore_mem>>)
    %dma_wait3A = arith.constant 0 : i32
    %dma_wait3A_186 = arith.constant 0 : i32
    %dma_wait3A_187 = arith.constant 0 : i32
    %dma_wait3A_188 = tpu.memref_slice %arg6[%dma_wait3A_186, %dma_wait3A_187] : memref<2x1024xf32, #tpu.memory_space<vmem>> -> memref<1x128xf32, #tpu.memory_space<vmem>>
    %dma_wait3A_189 = tpu.memref_squeeze %dma_wait3A_188 : memref<1x128xf32, #tpu.memory_space<vmem>> -> memref<128xf32, #tpu.memory_space<vmem>>
    %dma_wait3A_190 = arith.constant 0 : i32
    %dma_wait3A_191 = tpu.memref_slice %arg5[%dma_wait3A, %dma_wait3A_190] : memref<8x128xi32, #tpu.memory_space<vmem>> -> memref<1x128xi32, #tpu.memory_space<vmem>>
    %dma_wait3A_192 = tpu.memref_squeeze %dma_wait3A_191 : memref<1x128xi32, #tpu.memory_space<vmem>> -> memref<128xi32, #tpu.memory_space<vmem>>
    %dma_wait3A_193 = tpu.memref_slice %arg2[%mul3A_6] : memref<6400000xf32, #tpu.memory_space<hbm>> -> memref<100000xf32, #tpu.memory_space<hbm>>
    %dma_wait3A_194 = arith.constant 0 : i32
    %dma_wait3A_195 = tpu.memref_slice %dma_wait3A_193[%dma_wait3A_194] : memref<100000xf32, #tpu.memory_space<hbm>> -> memref<100000xf32, #tpu.memory_space<hbm>>
    tpu.wait_indirect_dma semaphore(%arg7 : memref<!tpu.dma_semaphore, #tpu.memory_space<semaphore_mem>>) src(%dma_wait3A_195 : memref<100000xf32, #tpu.memory_space<hbm>>) dst(%dma_wait3A_189 : memref<128xf32, #tpu.memory_space<vmem>>)
    %dma_wait3A_196 = arith.constant 1 : i32
    %dma_wait3A_197 = arith.constant 0 : i32
    %dma_wait3A_198 = arith.constant 128 : i32
    %dma_wait3A_199 = tpu.memref_slice %arg6[%dma_wait3A_197, %dma_wait3A_198] : memref<2x1024xf32, #tpu.memory_space<vmem>> -> memref<1x128xf32, #tpu.memory_space<vmem>>
    %dma_wait3A_200 = tpu.memref_squeeze %dma_wait3A_199 : memref<1x128xf32, #tpu.memory_space<vmem>> -> memref<128xf32, #tpu.memory_space<vmem>>
    %dma_wait3A_201 = arith.constant 0 : i32
    %dma_wait3A_202 = tpu.memref_slice %arg5[%dma_wait3A_196, %dma_wait3A_201] : memref<8x128xi32, #tpu.memory_space<vmem>> -> memref<1x128xi32, #tpu.memory_space<vmem>>
    %dma_wait3A_203 = tpu.memref_squeeze %dma_wait3A_202 : memref<1x128xi32, #tpu.memory_space<vmem>> -> memref<128xi32, #tpu.memory_space<vmem>>
    %dma_wait3A_204 = tpu.memref_slice %arg2[%mul3A_6] : memref<6400000xf32, #tpu.memory_space<hbm>> -> memref<100000xf32, #tpu.memory_space<hbm>>
    %dma_wait3A_205 = arith.constant 0 : i32
    %dma_wait3A_206 = tpu.memref_slice %dma_wait3A_204[%dma_wait3A_205] : memref<100000xf32, #tpu.memory_space<hbm>> -> memref<100000xf32, #tpu.memory_space<hbm>>
    tpu.wait_indirect_dma semaphore(%arg7 : memref<!tpu.dma_semaphore, #tpu.memory_space<semaphore_mem>>) src(%dma_wait3A_206 : memref<100000xf32, #tpu.memory_space<hbm>>) dst(%dma_wait3A_200 : memref<128xf32, #tpu.memory_space<vmem>>)
    %dma_wait3A_207 = arith.constant 2 : i32
    %dma_wait3A_208 = arith.constant 0 : i32
    %dma_wait3A_209 = arith.constant 256 : i32
    %dma_wait3A_210 = tpu.memref_slice %arg6[%dma_wait3A_208, %dma_wait3A_209] : memref<2x1024xf32, #tpu.memory_space<vmem>> -> memref<1x128xf32, #tpu.memory_space<vmem>>
    %dma_wait3A_211 = tpu.memref_squeeze %dma_wait3A_210 : memref<1x128xf32, #tpu.memory_space<vmem>> -> memref<128xf32, #tpu.memory_space<vmem>>
    %dma_wait3A_212 = arith.constant 0 : i32
    %dma_wait3A_213 = tpu.memref_slice %arg5[%dma_wait3A_207, %dma_wait3A_212] : memref<8x128xi32, #tpu.memory_space<vmem>> -> memref<1x128xi32, #tpu.memory_space<vmem>>
    %dma_wait3A_214 = tpu.memref_squeeze %dma_wait3A_213 : memref<1x128xi32, #tpu.memory_space<vmem>> -> memref<128xi32, #tpu.memory_space<vmem>>
    %dma_wait3A_215 = tpu.memref_slice %arg2[%mul3A_6] : memref<6400000xf32, #tpu.memory_space<hbm>> -> memref<100000xf32, #tpu.memory_space<hbm>>
    %dma_wait3A_216 = arith.constant 0 : i32
    %dma_wait3A_217 = tpu.memref_slice %dma_wait3A_215[%dma_wait3A_216] : memref<100000xf32, #tpu.memory_space<hbm>> -> memref<100000xf32, #tpu.memory_space<hbm>>
    tpu.wait_indirect_dma semaphore(%arg7 : memref<!tpu.dma_semaphore, #tpu.memory_space<semaphore_mem>>) src(%dma_wait3A_217 : memref<100000xf32, #tpu.memory_space<hbm>>) dst(%dma_wait3A_211 : memref<128xf32, #tpu.memory_space<vmem>>)
    %dma_wait3A_218 = arith.constant 3 : i32
    %dma_wait3A_219 = arith.constant 0 : i32
    %dma_wait3A_220 = arith.constant 384 : i32
    %dma_wait3A_221 = tpu.memref_slice %arg6[%dma_wait3A_219, %dma_wait3A_220] : memref<2x1024xf32, #tpu.memory_space<vmem>> -> memref<1x128xf32, #tpu.memory_space<vmem>>
    %dma_wait3A_222 = tpu.memref_squeeze %dma_wait3A_221 : memref<1x128xf32, #tpu.memory_space<vmem>> -> memref<128xf32, #tpu.memory_space<vmem>>
    %dma_wait3A_223 = arith.constant 0 : i32
    %dma_wait3A_224 = tpu.memref_slice %arg5[%dma_wait3A_218, %dma_wait3A_223] : memref<8x128xi32, #tpu.memory_space<vmem>> -> memref<1x128xi32, #tpu.memory_space<vmem>>
    %dma_wait3A_225 = tpu.memref_squeeze %dma_wait3A_224 : memref<1x128xi32, #tpu.memory_space<vmem>> -> memref<128xi32, #tpu.memory_space<vmem>>
    %dma_wait3A_226 = tpu.memref_slice %arg2[%mul3A_6] : memref<6400000xf32, #tpu.memory_space<hbm>> -> memref<100000xf32, #tpu.memory_space<hbm>>
    %dma_wait3A_227 = arith.constant 0 : i32
    %dma_wait3A_228 = tpu.memref_slice %dma_wait3A_226[%dma_wait3A_227] : memref<100000xf32, #tpu.memory_space<hbm>> -> memref<100000xf32, #tpu.memory_space<hbm>>
    tpu.wait_indirect_dma semaphore(%arg7 : memref<!tpu.dma_semaphore, #tpu.memory_space<semaphore_mem>>) src(%dma_wait3A_228 : memref<100000xf32, #tpu.memory_space<hbm>>) dst(%dma_wait3A_222 : memref<128xf32, #tpu.memory_space<vmem>>)
    %dma_wait3A_229 = arith.constant 4 : i32
    %dma_wait3A_230 = arith.constant 0 : i32
    %dma_wait3A_231 = arith.constant 512 : i32
    %dma_wait3A_232 = tpu.memref_slice %arg6[%dma_wait3A_230, %dma_wait3A_231] : memref<2x1024xf32, #tpu.memory_space<vmem>> -> memref<1x128xf32, #tpu.memory_space<vmem>>
    %dma_wait3A_233 = tpu.memref_squeeze %dma_wait3A_232 : memref<1x128xf32, #tpu.memory_space<vmem>> -> memref<128xf32, #tpu.memory_space<vmem>>
    %dma_wait3A_234 = arith.constant 0 : i32
    %dma_wait3A_235 = tpu.memref_slice %arg5[%dma_wait3A_229, %dma_wait3A_234] : memref<8x128xi32, #tpu.memory_space<vmem>> -> memref<1x128xi32, #tpu.memory_space<vmem>>
    %dma_wait3A_236 = tpu.memref_squeeze %dma_wait3A_235 : memref<1x128xi32, #tpu.memory_space<vmem>> -> memref<128xi32, #tpu.memory_space<vmem>>
    %dma_wait3A_237 = tpu.memref_slice %arg2[%mul3A_6] : memref<6400000xf32, #tpu.memory_space<hbm>> -> memref<100000xf32, #tpu.memory_space<hbm>>
    %dma_wait3A_238 = arith.constant 0 : i32
    %dma_wait3A_239 = tpu.memref_slice %dma_wait3A_237[%dma_wait3A_238] : memref<100000xf32, #tpu.memory_space<hbm>> -> memref<100000xf32, #tpu.memory_space<hbm>>
    tpu.wait_indirect_dma semaphore(%arg7 : memref<!tpu.dma_semaphore, #tpu.memory_space<semaphore_mem>>) src(%dma_wait3A_239 : memref<100000xf32, #tpu.memory_space<hbm>>) dst(%dma_wait3A_233 : memref<128xf32, #tpu.memory_space<vmem>>)
    %dma_wait3A_240 = arith.constant 5 : i32
    %dma_wait3A_241 = arith.constant 0 : i32
    %dma_wait3A_242 = arith.constant 640 : i32
    %dma_wait3A_243 = tpu.memref_slice %arg6[%dma_wait3A_241, %dma_wait3A_242] : memref<2x1024xf32, #tpu.memory_space<vmem>> -> memref<1x128xf32, #tpu.memory_space<vmem>>
    %dma_wait3A_244 = tpu.memref_squeeze %dma_wait3A_243 : memref<1x128xf32, #tpu.memory_space<vmem>> -> memref<128xf32, #tpu.memory_space<vmem>>
    %dma_wait3A_245 = arith.constant 0 : i32
    %dma_wait3A_246 = tpu.memref_slice %arg5[%dma_wait3A_240, %dma_wait3A_245] : memref<8x128xi32, #tpu.memory_space<vmem>> -> memref<1x128xi32, #tpu.memory_space<vmem>>
    %dma_wait3A_247 = tpu.memref_squeeze %dma_wait3A_246 : memref<1x128xi32, #tpu.memory_space<vmem>> -> memref<128xi32, #tpu.memory_space<vmem>>
    %dma_wait3A_248 = tpu.memref_slice %arg2[%mul3A_6] : memref<6400000xf32, #tpu.memory_space<hbm>> -> memref<100000xf32, #tpu.memory_space<hbm>>
    %dma_wait3A_249 = arith.constant 0 : i32
    %dma_wait3A_250 = tpu.memref_slice %dma_wait3A_248[%dma_wait3A_249] : memref<100000xf32, #tpu.memory_space<hbm>> -> memref<100000xf32, #tpu.memory_space<hbm>>
    tpu.wait_indirect_dma semaphore(%arg7 : memref<!tpu.dma_semaphore, #tpu.memory_space<semaphore_mem>>) src(%dma_wait3A_250 : memref<100000xf32, #tpu.memory_space<hbm>>) dst(%dma_wait3A_244 : memref<128xf32, #tpu.memory_space<vmem>>)
    %dma_wait3A_251 = arith.constant 6 : i32
    %dma_wait3A_252 = arith.constant 0 : i32
    %dma_wait3A_253 = arith.constant 768 : i32
    %dma_wait3A_254 = tpu.memref_slice %arg6[%dma_wait3A_252, %dma_wait3A_253] : memref<2x1024xf32, #tpu.memory_space<vmem>> -> memref<1x128xf32, #tpu.memory_space<vmem>>
    %dma_wait3A_255 = tpu.memref_squeeze %dma_wait3A_254 : memref<1x128xf32, #tpu.memory_space<vmem>> -> memref<128xf32, #tpu.memory_space<vmem>>
    %dma_wait3A_256 = arith.constant 0 : i32
    %dma_wait3A_257 = tpu.memref_slice %arg5[%dma_wait3A_251, %dma_wait3A_256] : memref<8x128xi32, #tpu.memory_space<vmem>> -> memref<1x128xi32, #tpu.memory_space<vmem>>
    %dma_wait3A_258 = tpu.memref_squeeze %dma_wait3A_257 : memref<1x128xi32, #tpu.memory_space<vmem>> -> memref<128xi32, #tpu.memory_space<vmem>>
    %dma_wait3A_259 = tpu.memref_slice %arg2[%mul3A_6] : memref<6400000xf32, #tpu.memory_space<hbm>> -> memref<100000xf32, #tpu.memory_space<hbm>>
    %dma_wait3A_260 = arith.constant 0 : i32
    %dma_wait3A_261 = tpu.memref_slice %dma_wait3A_259[%dma_wait3A_260] : memref<100000xf32, #tpu.memory_space<hbm>> -> memref<100000xf32, #tpu.memory_space<hbm>>
    tpu.wait_indirect_dma semaphore(%arg7 : memref<!tpu.dma_semaphore, #tpu.memory_space<semaphore_mem>>) src(%dma_wait3A_261 : memref<100000xf32, #tpu.memory_space<hbm>>) dst(%dma_wait3A_255 : memref<128xf32, #tpu.memory_space<vmem>>)
    %dma_wait3A_262 = arith.constant 7 : i32
    %dma_wait3A_263 = arith.constant 0 : i32
    %dma_wait3A_264 = arith.constant 896 : i32
    %dma_wait3A_265 = tpu.memref_slice %arg6[%dma_wait3A_263, %dma_wait3A_264] : memref<2x1024xf32, #tpu.memory_space<vmem>> -> memref<1x128xf32, #tpu.memory_space<vmem>>
    %dma_wait3A_266 = tpu.memref_squeeze %dma_wait3A_265 : memref<1x128xf32, #tpu.memory_space<vmem>> -> memref<128xf32, #tpu.memory_space<vmem>>
    %dma_wait3A_267 = arith.constant 0 : i32
    %dma_wait3A_268 = tpu.memref_slice %arg5[%dma_wait3A_262, %dma_wait3A_267] : memref<8x128xi32, #tpu.memory_space<vmem>> -> memref<1x128xi32, #tpu.memory_space<vmem>>
    %dma_wait3A_269 = tpu.memref_squeeze %dma_wait3A_268 : memref<1x128xi32, #tpu.memory_space<vmem>> -> memref<128xi32, #tpu.memory_space<vmem>>
    %dma_wait3A_270 = tpu.memref_slice %arg2[%mul3A_6] : memref<6400000xf32, #tpu.memory_space<hbm>> -> memref<100000xf32, #tpu.memory_space<hbm>>
    %dma_wait3A_271 = arith.constant 0 : i32
    %dma_wait3A_272 = tpu.memref_slice %dma_wait3A_270[%dma_wait3A_271] : memref<100000xf32, #tpu.memory_space<hbm>> -> memref<100000xf32, #tpu.memory_space<hbm>>
    tpu.wait_indirect_dma semaphore(%arg7 : memref<!tpu.dma_semaphore, #tpu.memory_space<semaphore_mem>>) src(%dma_wait3A_272 : memref<100000xf32, #tpu.memory_space<hbm>>) dst(%dma_wait3A_266 : memref<128xf32, #tpu.memory_space<vmem>>)
    %dma_wait3A_273 = arith.constant 0 : i32
    %dma_wait3A_274 = arith.constant 1 : i32
    %dma_wait3A_275 = arith.constant 0 : i32
    %dma_wait3A_276 = tpu.memref_slice %arg6[%dma_wait3A_274, %dma_wait3A_275] : memref<2x1024xf32, #tpu.memory_space<vmem>> -> memref<1x128xf32, #tpu.memory_space<vmem>>
    %dma_wait3A_277 = tpu.memref_squeeze %dma_wait3A_276 : memref<1x128xf32, #tpu.memory_space<vmem>> -> memref<128xf32, #tpu.memory_space<vmem>>
    %dma_wait3A_278 = arith.constant 0 : i32
    %dma_wait3A_279 = tpu.memref_slice %arg5[%dma_wait3A_273, %dma_wait3A_278] : memref<8x128xi32, #tpu.memory_space<vmem>> -> memref<1x128xi32, #tpu.memory_space<vmem>>
    %dma_wait3A_280 = tpu.memref_squeeze %dma_wait3A_279 : memref<1x128xi32, #tpu.memory_space<vmem>> -> memref<128xi32, #tpu.memory_space<vmem>>
    %dma_wait3A_281 = tpu.memref_slice %arg2[%mul3A_97] : memref<6400000xf32, #tpu.memory_space<hbm>> -> memref<100000xf32, #tpu.memory_space<hbm>>
    %dma_wait3A_282 = arith.constant 0 : i32
    %dma_wait3A_283 = tpu.memref_slice %dma_wait3A_281[%dma_wait3A_282] : memref<100000xf32, #tpu.memory_space<hbm>> -> memref<100000xf32, #tpu.memory_space<hbm>>
    tpu.wait_indirect_dma semaphore(%arg7 : memref<!tpu.dma_semaphore, #tpu.memory_space<semaphore_mem>>) src(%dma_wait3A_283 : memref<100000xf32, #tpu.memory_space<hbm>>) dst(%dma_wait3A_277 : memref<128xf32, #tpu.memory_space<vmem>>)
    %dma_wait3A_284 = arith.constant 1 : i32
    %dma_wait3A_285 = arith.constant 1 : i32
    %dma_wait3A_286 = arith.constant 128 : i32
    %dma_wait3A_287 = tpu.memref_slice %arg6[%dma_wait3A_285, %dma_wait3A_286] : memref<2x1024xf32, #tpu.memory_space<vmem>> -> memref<1x128xf32, #tpu.memory_space<vmem>>
    %dma_wait3A_288 = tpu.memref_squeeze %dma_wait3A_287 : memref<1x128xf32, #tpu.memory_space<vmem>> -> memref<128xf32, #tpu.memory_space<vmem>>
    %dma_wait3A_289 = arith.constant 0 : i32
    %dma_wait3A_290 = tpu.memref_slice %arg5[%dma_wait3A_284, %dma_wait3A_289] : memref<8x128xi32, #tpu.memory_space<vmem>> -> memref<1x128xi32, #tpu.memory_space<vmem>>
    %dma_wait3A_291 = tpu.memref_squeeze %dma_wait3A_290 : memref<1x128xi32, #tpu.memory_space<vmem>> -> memref<128xi32, #tpu.memory_space<vmem>>
    %dma_wait3A_292 = tpu.memref_slice %arg2[%mul3A_97] : memref<6400000xf32, #tpu.memory_space<hbm>> -> memref<100000xf32, #tpu.memory_space<hbm>>
    %dma_wait3A_293 = arith.constant 0 : i32
    %dma_wait3A_294 = tpu.memref_slice %dma_wait3A_292[%dma_wait3A_293] : memref<100000xf32, #tpu.memory_space<hbm>> -> memref<100000xf32, #tpu.memory_space<hbm>>
    tpu.wait_indirect_dma semaphore(%arg7 : memref<!tpu.dma_semaphore, #tpu.memory_space<semaphore_mem>>) src(%dma_wait3A_294 : memref<100000xf32, #tpu.memory_space<hbm>>) dst(%dma_wait3A_288 : memref<128xf32, #tpu.memory_space<vmem>>)
    %dma_wait3A_295 = arith.constant 2 : i32
    %dma_wait3A_296 = arith.constant 1 : i32
    %dma_wait3A_297 = arith.constant 256 : i32
    %dma_wait3A_298 = tpu.memref_slice %arg6[%dma_wait3A_296, %dma_wait3A_297] : memref<2x1024xf32, #tpu.memory_space<vmem>> -> memref<1x128xf32, #tpu.memory_space<vmem>>
    %dma_wait3A_299 = tpu.memref_squeeze %dma_wait3A_298 : memref<1x128xf32, #tpu.memory_space<vmem>> -> memref<128xf32, #tpu.memory_space<vmem>>
    %dma_wait3A_300 = arith.constant 0 : i32
    %dma_wait3A_301 = tpu.memref_slice %arg5[%dma_wait3A_295, %dma_wait3A_300] : memref<8x128xi32, #tpu.memory_space<vmem>> -> memref<1x128xi32, #tpu.memory_space<vmem>>
    %dma_wait3A_302 = tpu.memref_squeeze %dma_wait3A_301 : memref<1x128xi32, #tpu.memory_space<vmem>> -> memref<128xi32, #tpu.memory_space<vmem>>
    %dma_wait3A_303 = tpu.memref_slice %arg2[%mul3A_97] : memref<6400000xf32, #tpu.memory_space<hbm>> -> memref<100000xf32, #tpu.memory_space<hbm>>
    %dma_wait3A_304 = arith.constant 0 : i32
    %dma_wait3A_305 = tpu.memref_slice %dma_wait3A_303[%dma_wait3A_304] : memref<100000xf32, #tpu.memory_space<hbm>> -> memref<100000xf32, #tpu.memory_space<hbm>>
    tpu.wait_indirect_dma semaphore(%arg7 : memref<!tpu.dma_semaphore, #tpu.memory_space<semaphore_mem>>) src(%dma_wait3A_305 : memref<100000xf32, #tpu.memory_space<hbm>>) dst(%dma_wait3A_299 : memref<128xf32, #tpu.memory_space<vmem>>)
    %dma_wait3A_306 = arith.constant 3 : i32
    %dma_wait3A_307 = arith.constant 1 : i32
    %dma_wait3A_308 = arith.constant 384 : i32
    %dma_wait3A_309 = tpu.memref_slice %arg6[%dma_wait3A_307, %dma_wait3A_308] : memref<2x1024xf32, #tpu.memory_space<vmem>> -> memref<1x128xf32, #tpu.memory_space<vmem>>
    %dma_wait3A_310 = tpu.memref_squeeze %dma_wait3A_309 : memref<1x128xf32, #tpu.memory_space<vmem>> -> memref<128xf32, #tpu.memory_space<vmem>>
    %dma_wait3A_311 = arith.constant 0 : i32
    %dma_wait3A_312 = tpu.memref_slice %arg5[%dma_wait3A_306, %dma_wait3A_311] : memref<8x128xi32, #tpu.memory_space<vmem>> -> memref<1x128xi32, #tpu.memory_space<vmem>>
    %dma_wait3A_313 = tpu.memref_squeeze %dma_wait3A_312 : memref<1x128xi32, #tpu.memory_space<vmem>> -> memref<128xi32, #tpu.memory_space<vmem>>
    %dma_wait3A_314 = tpu.memref_slice %arg2[%mul3A_97] : memref<6400000xf32, #tpu.memory_space<hbm>> -> memref<100000xf32, #tpu.memory_space<hbm>>
    %dma_wait3A_315 = arith.constant 0 : i32
    %dma_wait3A_316 = tpu.memref_slice %dma_wait3A_314[%dma_wait3A_315] : memref<100000xf32, #tpu.memory_space<hbm>> -> memref<100000xf32, #tpu.memory_space<hbm>>
    tpu.wait_indirect_dma semaphore(%arg7 : memref<!tpu.dma_semaphore, #tpu.memory_space<semaphore_mem>>) src(%dma_wait3A_316 : memref<100000xf32, #tpu.memory_space<hbm>>) dst(%dma_wait3A_310 : memref<128xf32, #tpu.memory_space<vmem>>)
    %dma_wait3A_317 = arith.constant 4 : i32
    %dma_wait3A_318 = arith.constant 1 : i32
    %dma_wait3A_319 = arith.constant 512 : i32
    %dma_wait3A_320 = tpu.memref_slice %arg6[%dma_wait3A_318, %dma_wait3A_319] : memref<2x1024xf32, #tpu.memory_space<vmem>> -> memref<1x128xf32, #tpu.memory_space<vmem>>
    %dma_wait3A_321 = tpu.memref_squeeze %dma_wait3A_320 : memref<1x128xf32, #tpu.memory_space<vmem>> -> memref<128xf32, #tpu.memory_space<vmem>>
    %dma_wait3A_322 = arith.constant 0 : i32
    %dma_wait3A_323 = tpu.memref_slice %arg5[%dma_wait3A_317, %dma_wait3A_322] : memref<8x128xi32, #tpu.memory_space<vmem>> -> memref<1x128xi32, #tpu.memory_space<vmem>>
    %dma_wait3A_324 = tpu.memref_squeeze %dma_wait3A_323 : memref<1x128xi32, #tpu.memory_space<vmem>> -> memref<128xi32, #tpu.memory_space<vmem>>
    %dma_wait3A_325 = tpu.memref_slice %arg2[%mul3A_97] : memref<6400000xf32, #tpu.memory_space<hbm>> -> memref<100000xf32, #tpu.memory_space<hbm>>
    %dma_wait3A_326 = arith.constant 0 : i32
    %dma_wait3A_327 = tpu.memref_slice %dma_wait3A_325[%dma_wait3A_326] : memref<100000xf32, #tpu.memory_space<hbm>> -> memref<100000xf32, #tpu.memory_space<hbm>>
    tpu.wait_indirect_dma semaphore(%arg7 : memref<!tpu.dma_semaphore, #tpu.memory_space<semaphore_mem>>) src(%dma_wait3A_327 : memref<100000xf32, #tpu.memory_space<hbm>>) dst(%dma_wait3A_321 : memref<128xf32, #tpu.memory_space<vmem>>)
    %dma_wait3A_328 = arith.constant 5 : i32
    %dma_wait3A_329 = arith.constant 1 : i32
    %dma_wait3A_330 = arith.constant 640 : i32
    %dma_wait3A_331 = tpu.memref_slice %arg6[%dma_wait3A_329, %dma_wait3A_330] : memref<2x1024xf32, #tpu.memory_space<vmem>> -> memref<1x128xf32, #tpu.memory_space<vmem>>
    %dma_wait3A_332 = tpu.memref_squeeze %dma_wait3A_331 : memref<1x128xf32, #tpu.memory_space<vmem>> -> memref<128xf32, #tpu.memory_space<vmem>>
    %dma_wait3A_333 = arith.constant 0 : i32
    %dma_wait3A_334 = tpu.memref_slice %arg5[%dma_wait3A_328, %dma_wait3A_333] : memref<8x128xi32, #tpu.memory_space<vmem>> -> memref<1x128xi32, #tpu.memory_space<vmem>>
    %dma_wait3A_335 = tpu.memref_squeeze %dma_wait3A_334 : memref<1x128xi32, #tpu.memory_space<vmem>> -> memref<128xi32, #tpu.memory_space<vmem>>
    %dma_wait3A_336 = tpu.memref_slice %arg2[%mul3A_97] : memref<6400000xf32, #tpu.memory_space<hbm>> -> memref<100000xf32, #tpu.memory_space<hbm>>
    %dma_wait3A_337 = arith.constant 0 : i32
    %dma_wait3A_338 = tpu.memref_slice %dma_wait3A_336[%dma_wait3A_337] : memref<100000xf32, #tpu.memory_space<hbm>> -> memref<100000xf32, #tpu.memory_space<hbm>>
    tpu.wait_indirect_dma semaphore(%arg7 : memref<!tpu.dma_semaphore, #tpu.memory_space<semaphore_mem>>) src(%dma_wait3A_338 : memref<100000xf32, #tpu.memory_space<hbm>>) dst(%dma_wait3A_332 : memref<128xf32, #tpu.memory_space<vmem>>)
    %dma_wait3A_339 = arith.constant 6 : i32
    %dma_wait3A_340 = arith.constant 1 : i32
    %dma_wait3A_341 = arith.constant 768 : i32
    %dma_wait3A_342 = tpu.memref_slice %arg6[%dma_wait3A_340, %dma_wait3A_341] : memref<2x1024xf32, #tpu.memory_space<vmem>> -> memref<1x128xf32, #tpu.memory_space<vmem>>
    %dma_wait3A_343 = tpu.memref_squeeze %dma_wait3A_342 : memref<1x128xf32, #tpu.memory_space<vmem>> -> memref<128xf32, #tpu.memory_space<vmem>>
    %dma_wait3A_344 = arith.constant 0 : i32
    %dma_wait3A_345 = tpu.memref_slice %arg5[%dma_wait3A_339, %dma_wait3A_344] : memref<8x128xi32, #tpu.memory_space<vmem>> -> memref<1x128xi32, #tpu.memory_space<vmem>>
    %dma_wait3A_346 = tpu.memref_squeeze %dma_wait3A_345 : memref<1x128xi32, #tpu.memory_space<vmem>> -> memref<128xi32, #tpu.memory_space<vmem>>
    %dma_wait3A_347 = tpu.memref_slice %arg2[%mul3A_97] : memref<6400000xf32, #tpu.memory_space<hbm>> -> memref<100000xf32, #tpu.memory_space<hbm>>
    %dma_wait3A_348 = arith.constant 0 : i32
    %dma_wait3A_349 = tpu.memref_slice %dma_wait3A_347[%dma_wait3A_348] : memref<100000xf32, #tpu.memory_space<hbm>> -> memref<100000xf32, #tpu.memory_space<hbm>>
    tpu.wait_indirect_dma semaphore(%arg7 : memref<!tpu.dma_semaphore, #tpu.memory_space<semaphore_mem>>) src(%dma_wait3A_349 : memref<100000xf32, #tpu.memory_space<hbm>>) dst(%dma_wait3A_343 : memref<128xf32, #tpu.memory_space<vmem>>)
    %dma_wait3A_350 = arith.constant 7 : i32
    %dma_wait3A_351 = arith.constant 1 : i32
    %dma_wait3A_352 = arith.constant 896 : i32
    %dma_wait3A_353 = tpu.memref_slice %arg6[%dma_wait3A_351, %dma_wait3A_352] : memref<2x1024xf32, #tpu.memory_space<vmem>> -> memref<1x128xf32, #tpu.memory_space<vmem>>
    %dma_wait3A_354 = tpu.memref_squeeze %dma_wait3A_353 : memref<1x128xf32, #tpu.memory_space<vmem>> -> memref<128xf32, #tpu.memory_space<vmem>>
    %dma_wait3A_355 = arith.constant 0 : i32
    %dma_wait3A_356 = tpu.memref_slice %arg5[%dma_wait3A_350, %dma_wait3A_355] : memref<8x128xi32, #tpu.memory_space<vmem>> -> memref<1x128xi32, #tpu.memory_space<vmem>>
    %dma_wait3A_357 = tpu.memref_squeeze %dma_wait3A_356 : memref<1x128xi32, #tpu.memory_space<vmem>> -> memref<128xi32, #tpu.memory_space<vmem>>
    %dma_wait3A_358 = tpu.memref_slice %arg2[%mul3A_97] : memref<6400000xf32, #tpu.memory_space<hbm>> -> memref<100000xf32, #tpu.memory_space<hbm>>
    %dma_wait3A_359 = arith.constant 0 : i32
    %dma_wait3A_360 = tpu.memref_slice %dma_wait3A_358[%dma_wait3A_359] : memref<100000xf32, #tpu.memory_space<hbm>> -> memref<100000xf32, #tpu.memory_space<hbm>>
    tpu.wait_indirect_dma semaphore(%arg7 : memref<!tpu.dma_semaphore, #tpu.memory_space<semaphore_mem>>) src(%dma_wait3A_360 : memref<100000xf32, #tpu.memory_space<hbm>>) dst(%dma_wait3A_354 : memref<128xf32, #tpu.memory_space<vmem>>)
    "tpu.region"() ({
      %run_scoped3A = tpu.sem_alloc : memref<!tpu.dma_semaphore, #tpu.memory_space<semaphore_mem>>
      %dma_start3A_361 = arith.constant 0 : i32
      %dma_start3A_362 = tpu.memref_slice %arg4[%mul3A_2, %dma_start3A_361] : memref<64x1024xf32, #tpu.memory_space<hbm>> -> memref<2x1024xf32, #tpu.memory_space<hbm>>
      %dma_start3A_363 = arith.constant 0 : i32
      %dma_start3A_364 = tpu.memref_slice %arg4[%mul3A_2, %dma_start3A_363] : memref<64x1024xf32, #tpu.memory_space<hbm>> -> memref<2x1024xf32, #tpu.memory_space<hbm>>
      tpu.enqueue_dma source(%arg6 : memref<2x1024xf32, #tpu.memory_space<vmem>>) target(%dma_start3A_364 : memref<2x1024xf32, #tpu.memory_space<hbm>>) target_semaphore(%run_scoped3A : memref<!tpu.dma_semaphore, #tpu.memory_space<semaphore_mem>>)
      %dma_wait3A_365 = arith.constant 0 : i32
      %dma_wait3A_366 = tpu.memref_slice %arg4[%mul3A_2, %dma_wait3A_365] : memref<64x1024xf32, #tpu.memory_space<hbm>> -> memref<2x1024xf32, #tpu.memory_space<hbm>>
      %dma_wait3A_367 = arith.constant 0 : i32
      %dma_wait3A_368 = tpu.memref_slice %arg4[%mul3A_2, %dma_wait3A_367] : memref<64x1024xf32, #tpu.memory_space<hbm>> -> memref<2x1024xf32, #tpu.memory_space<hbm>>
      tpu.wait_dma2 semaphore(%run_scoped3A : memref<!tpu.dma_semaphore, #tpu.memory_space<semaphore_mem>>) src(%arg6 : memref<2x1024xf32, #tpu.memory_space<vmem>>) dst(%dma_wait3A_368 : memref<2x1024xf32, #tpu.memory_space<hbm>>)
      tpu.yield
    }) : () -> ()
    return
  }
}

module attributes {stable_mosaic.version = 14 : i64} {
  func.func @_tc_loss_body(%arg0: memref<1024x64xf32, #tpu.memory_space<vmem>>, %arg1: memref<64x1024xf32, #tpu.memory_space<vmem>>, %arg2: memref<1024x1xi32, #tpu.memory_space<vmem>>, %arg3: memref<1x1024xi32, #tpu.memory_space<vmem>>, %arg4: memref<1x1xf32, #tpu.memory_space<vmem>>) attributes {dimension_semantics = [], scalar_prefetch = 0 : i64, scratch_operands = 0 : i64, tpu.core_type = #tpu.core_type<tc>} {
    %get3A = arith.constant 0 : index
    %get3A_0 = arith.constant 0 : index
    %get3A_1 = vector.load %arg0[%get3A, %get3A_0] : memref<1024x64xf32, #tpu.memory_space<vmem>>, vector<1024x64xf32>
    %get3A_2 = arith.constant 0 : index
    %get3A_3 = arith.constant 0 : index
    %get3A_4 = vector.load %arg1[%get3A_2, %get3A_3] : memref<64x1024xf32, #tpu.memory_space<vmem>>, vector<64x1024xf32>
    %mul3A = arith.mulf %get3A_1, %get3A_1 : vector<1024x64xf32>
    %reduce_sum3A = arith.constant dense<0.000000e+00> : vector<1024xf32>
    %reduce_sum3A_5 = vector.multi_reduction <add>, %mul3A, %reduce_sum3A [1] : vector<1024x64xf32> to vector<1024xf32>
    %broadcast_in_dim3A = vector.shape_cast %reduce_sum3A_5 : vector<1024xf32> to vector<1024x1xf32>
    %mul3A_6 = arith.mulf %get3A_4, %get3A_4 : vector<64x1024xf32>
    %reduce_sum3A_7 = arith.constant dense<0.000000e+00> : vector<1024xf32>
    %reduce_sum3A_8 = vector.multi_reduction <add>, %mul3A_6, %reduce_sum3A_7 [0] : vector<64x1024xf32> to vector<1024xf32>
    %broadcast_in_dim3A_9 = vector.shape_cast %reduce_sum3A_8 : vector<1024xf32> to vector<1x1024xf32>
    %rsqrt3A = math.rsqrt %broadcast_in_dim3A_9 : vector<1x1024xf32>
    %mul3A_10 = vector.broadcast %rsqrt3A : vector<1x1024xf32> to vector<64x1024xf32>
    %mul3A_11 = arith.mulf %get3A_4, %mul3A_10 : vector<64x1024xf32>
    %dot_general3A = arith.constant dense<0.000000e+00> : vector<1024x1024xf32>
    %dot_general3A_12 = tpu.matmul %get3A_1, %mul3A_11, %dot_general3A {dimension_numbers = #tpu.dot_dimension_numbers<[1], [0], [0], [1], [0, 0, 1, 1], [], []>, transpose_lhs_hint = false} : vector<1024x64xf32>, vector<64x1024xf32>, vector<1024x1024xf32> -> vector<1024x1024xf32>
    %transpose3A = tpu.transpose %mul3A_11, [1, 0] : vector<64x1024xf32> -> vector<1024x64xf32>
    %mul3A_13 = arith.mulf %get3A_1, %transpose3A : vector<1024x64xf32>
    %reduce_sum3A_14 = arith.constant dense<0.000000e+00> : vector<1024xf32>
    %reduce_sum3A_15 = vector.multi_reduction <add>, %mul3A_13, %reduce_sum3A_14 [1] : vector<1024x64xf32> to vector<1024xf32>
    %broadcast_in_dim3A_16 = vector.shape_cast %reduce_sum3A_15 : vector<1024xf32> to vector<1024x1xf32>
    %sqrt3A = math.sqrt %broadcast_in_dim3A : vector<1024x1xf32>
    %rsqrt3A_17 = math.rsqrt %broadcast_in_dim3A : vector<1024x1xf32>
    %mul3A_18 = arith.mulf %broadcast_in_dim3A_16, %rsqrt3A_17 : vector<1024x1xf32>
    %jit3A = arith.constant -1.000000e+00 : f32
    %jit3A_19 = arith.constant 1.000000e+00 : f32
    %max3A = vector.broadcast %jit3A : f32 to vector<1024x1xf32>
    %max3A_20 = arith.maximumf %max3A, %mul3A_18 : vector<1024x1xf32>
    %min3A = vector.broadcast %jit3A_19 : f32 to vector<1024x1xf32>
    %min3A_21 = arith.minimumf %min3A, %max3A_20 : vector<1024x1xf32>
    %mul3A_22 = arith.mulf %min3A_21, %min3A_21 : vector<1024x1xf32>
    %mul3A_23 = arith.constant 8.000000e+00 : f32
    %mul3A_24 = vector.broadcast %mul3A_23 : f32 to vector<1024x1xf32>
    %mul3A_25 = arith.mulf %mul3A_24, %mul3A_22 : vector<1024x1xf32>
    %mul3A_26 = arith.mulf %mul3A_25, %mul3A_22 : vector<1024x1xf32>
    %mul3A_27 = arith.constant 8.000000e+00 : f32
    %mul3A_28 = vector.broadcast %mul3A_27 : f32 to vector<1024x1xf32>
    %mul3A_29 = arith.mulf %mul3A_28, %mul3A_22 : vector<1024x1xf32>
    %sub3A = arith.subf %mul3A_26, %mul3A_29 : vector<1024x1xf32>
    %add3A = arith.constant 1.000000e+00 : f32
    %add3A_30 = vector.broadcast %add3A : f32 to vector<1024x1xf32>
    %add3A_31 = arith.addf %sub3A, %add3A_30 : vector<1024x1xf32>
    %lt3A = arith.constant 0.707106769 : f32
    %lt3A_32 = vector.broadcast %lt3A : f32 to vector<1024x1xf32>
    %lt3A_33 = arith.cmpf olt, %min3A_21, %lt3A_32 : vector<1024x1xf32>
    %convert_element_type3A = arith.extui %lt3A_33 : vector<1024x1xi1> to vector<1024x1xi32>
    %convert_element_type3A_34 = arith.sitofp %convert_element_type3A : vector<1024x1xi32> to vector<1024x1xf32>
    %lt3A_35 = arith.constant 0.000000e+00 : f32
    %lt3A_36 = vector.broadcast %lt3A_35 : f32 to vector<1024x1xf32>
    %lt3A_37 = arith.cmpf olt, %min3A_21, %lt3A_36 : vector<1024x1xf32>
    %convert_element_type3A_38 = arith.extui %lt3A_37 : vector<1024x1xi1> to vector<1024x1xi32>
    %convert_element_type3A_39 = arith.sitofp %convert_element_type3A_38 : vector<1024x1xi32> to vector<1024x1xf32>
    %add3A_40 = arith.addf %convert_element_type3A_34, %convert_element_type3A_39 : vector<1024x1xf32>
    %lt3A_41 = arith.constant -0.707106769 : f32
    %lt3A_42 = vector.broadcast %lt3A_41 : f32 to vector<1024x1xf32>
    %lt3A_43 = arith.cmpf olt, %min3A_21, %lt3A_42 : vector<1024x1xf32>
    %convert_element_type3A_44 = arith.extui %lt3A_43 : vector<1024x1xi1> to vector<1024x1xi32>
    %convert_element_type3A_45 = arith.sitofp %convert_element_type3A_44 : vector<1024x1xi32> to vector<1024x1xf32>
    %add3A_46 = arith.addf %add3A_40, %convert_element_type3A_45 : vector<1024x1xf32>
    %le3A = arith.constant -1.000000e+00 : f32
    %le3A_47 = vector.broadcast %le3A : f32 to vector<1024x1xf32>
    %le3A_48 = arith.cmpf ole, %min3A_21, %le3A_47 : vector<1024x1xf32>
    %convert_element_type3A_49 = arith.extui %le3A_48 : vector<1024x1xi1> to vector<1024x1xi32>
    %convert_element_type3A_50 = arith.sitofp %convert_element_type3A_49 : vector<1024x1xi32> to vector<1024x1xf32>
    %add3A_51 = arith.addf %add3A_46, %convert_element_type3A_50 : vector<1024x1xf32>
    %eq3A = arith.constant 1.000000e+00 : f32
    %eq3A_52 = vector.broadcast %eq3A : f32 to vector<1024x1xf32>
    %eq3A_53 = arith.cmpf oeq, %add3A_51, %eq3A_52 : vector<1024x1xf32>
    %eq3A_54 = arith.constant 3.000000e+00 : f32
    %eq3A_55 = vector.broadcast %eq3A_54 : f32 to vector<1024x1xf32>
    %eq3A_56 = arith.cmpf oeq, %add3A_51, %eq3A_55 : vector<1024x1xf32>
    %or3A = arith.ori %eq3A_53, %eq3A_56 : vector<1024x1xi1>
    %jit3A_57 = arith.constant -1.000000e+00 : f32
    %jit3A_58 = arith.constant 1.000000e+00 : f32
    %broadcast_in_dim3A_59 = vector.broadcast %jit3A_57 : f32 to vector<1024x1xf32>
    %broadcast_in_dim3A_60 = vector.broadcast %jit3A_58 : f32 to vector<1024x1xf32>
    %select_n3A = arith.select %or3A, %broadcast_in_dim3A_59, %broadcast_in_dim3A_60 : vector<1024x1xi1>, vector<1024x1xf32>
    %mul3A_61 = arith.mulf %select_n3A, %add3A_31 : vector<1024x1xf32>
    %mul3A_62 = arith.constant 2.000000e+00 : f32
    %mul3A_63 = vector.broadcast %mul3A_62 : f32 to vector<1024x1xf32>
    %mul3A_64 = arith.mulf %mul3A_63, %add3A_51 : vector<1024x1xf32>
    %sub3A_65 = arith.subf %mul3A_61, %mul3A_64 : vector<1024x1xf32>
    %mul3A_66 = arith.mulf %min3A_21, %sqrt3A : vector<1024x1xf32>
    %mul3A_67 = arith.mulf %sub3A_65, %sqrt3A : vector<1024x1xf32>
    %sub3A_68 = arith.subf %mul3A_67, %mul3A_66 : vector<1024x1xf32>
    %mul3A_69 = arith.constant 7.327960e-04 : f32
    %mul3A_70 = vector.broadcast %mul3A_69 : f32 to vector<1024x1xf32>
    %mul3A_71 = arith.mulf %mul3A_70, %sub3A_68 : vector<1024x1xf32>
    %add3A_72 = arith.addf %mul3A_66, %mul3A_71 : vector<1024x1xf32>
    %get3A_73 = arith.constant 0 : index
    %get3A_74 = arith.constant 0 : index
    %get3A_75 = vector.load %arg2[%get3A_73, %get3A_74] : memref<1024x1xi32, #tpu.memory_space<vmem>>, vector<1024x1xi32>
    %get3A_76 = arith.constant 0 : index
    %get3A_77 = arith.constant 0 : index
    %get3A_78 = vector.load %arg3[%get3A_76, %get3A_77] : memref<1x1024xi32, #tpu.memory_space<vmem>>, vector<1x1024xi32>
    %eq3A_79 = vector.broadcast %get3A_75 : vector<1024x1xi32> to vector<1024x1024xi32>
    %eq3A_80 = vector.broadcast %get3A_78 : vector<1x1024xi32> to vector<1024x1024xi32>
    %eq3A_81 = arith.cmpi eq, %eq3A_79, %eq3A_80 : vector<1024x1024xi32>
    %broadcast_in_dim3A_82 = vector.shape_cast %add3A_72 : vector<1024x1xf32> to vector<1024x1xf32>
    %broadcast_in_dim3A_83 = vector.broadcast %broadcast_in_dim3A_82 : vector<1024x1xf32> to vector<1024x1024xf32>
    %select_n3A_84 = arith.select %eq3A_81, %broadcast_in_dim3A_83, %dot_general3A_12 : vector<1024x1024xi1>, vector<1024x1024xf32>
    %reduce_max3A = arith.constant dense<0xFF800000> : vector<1024xf32>
    %reduce_max3A_85 = vector.multi_reduction <maximumf>, %select_n3A_84, %reduce_max3A [0] : vector<1024x1024xf32> to vector<1024xf32>
    %broadcast_in_dim3A_86 = vector.shape_cast %reduce_max3A_85 : vector<1024xf32> to vector<1x1024xf32>
    %sub3A_87 = vector.broadcast %broadcast_in_dim3A_86 : vector<1x1024xf32> to vector<1024x1024xf32>
    %sub3A_88 = arith.subf %select_n3A_84, %sub3A_87 : vector<1024x1024xf32>
    %exp3A = math.exp %sub3A_88 : vector<1024x1024xf32>
    %reduce_sum3A_89 = arith.constant dense<0.000000e+00> : vector<1024xf32>
    %reduce_sum3A_90 = vector.multi_reduction <add>, %exp3A, %reduce_sum3A_89 [0] : vector<1024x1024xf32> to vector<1024xf32>
    %broadcast_in_dim3A_91 = vector.shape_cast %reduce_sum3A_90 : vector<1024xf32> to vector<1x1024xf32>
    %log3A = math.log %broadcast_in_dim3A_91 : vector<1x1024xf32>
    %add3A_92 = arith.addf %broadcast_in_dim3A_86, %log3A : vector<1x1024xf32>
    %reduce_sum3A_93 = vector.shape_cast %add3A_92 : vector<1x1024xf32> to vector<1x1x1024xf32>
    %reduce_sum3A_94 = arith.constant dense<0.000000e+00> : vector<1xf32>
    %reduce_sum3A_95 = vector.multi_reduction <add>, %reduce_sum3A_93, %reduce_sum3A_94 [1, 2] : vector<1x1x1024xf32> to vector<1xf32>
    %reduce_sum3A_96 = vector.shape_cast %reduce_sum3A_95 : vector<1xf32> to vector<1x1x1xf32>
    %reduce_sum3A_97 = vector.extract %reduce_sum3A_96[0, 0, 0] : f32 from vector<1x1x1xf32>
    %reduce_sum3A_98 = vector.shape_cast %add3A_72 : vector<1024x1xf32> to vector<1x1024x1xf32>
    %reduce_sum3A_99 = arith.constant dense<0.000000e+00> : vector<1xf32>
    %reduce_sum3A_100 = vector.multi_reduction <add>, %reduce_sum3A_98, %reduce_sum3A_99 [1, 2] : vector<1x1024x1xf32> to vector<1xf32>
    %reduce_sum3A_101 = vector.shape_cast %reduce_sum3A_100 : vector<1xf32> to vector<1x1x1xf32>
    %reduce_sum3A_102 = vector.extract %reduce_sum3A_101[0, 0, 0] : f32 from vector<1x1x1xf32>
    %sub3A_103 = arith.subf %reduce_sum3A_97, %reduce_sum3A_102 : f32
    %mul3A_104 = arith.constant 9.765625E-4 : f32
    %mul3A_105 = arith.mulf %sub3A_103, %mul3A_104 : f32
    %reshape3A = vector.broadcast %mul3A_105 : f32 to vector<1x1xf32>
    %swap3A = arith.constant 0 : index
    %swap3A_106 = arith.constant 0 : index
    %swap3A_107 = vector.load %arg4[%swap3A, %swap3A_106] : memref<1x1xf32, #tpu.memory_space<vmem>>, vector<1x1xf32>
    tpu.vector_store %arg4[%swap3A, %swap3A_106], %reshape3A {strides = array<i32>} : memref<1x1xf32, #tpu.memory_space<vmem>>, vector<1x1xf32>,
    return
  }
}

</mosaic_0001>

<sc_bundles>
// kernel: kernel.4.cloned.1.call-start
scs
__scs_entry_jumppad:
0x0: {  	(pc) =	sbr.rel $0x88, $3  }
0x1: {  	(tag) =	ssettag $0x0;
	lr =	simm.s32 $0x1  }
0x2: {  	[smem:$0x3F9E] =	sst lr;
	_ =	strace $0xD0000000  }
0x3: {  	_ = 	snop  }
0x4: {  	_ = 	snop  }
0x5: {  	_ = 	snop  }
0x6: {  	_ = 	snop  }
0x7: {  	_ = 	snop  }
__scs_overlays_trampoline_lowered:
0x8: {  	[smem:$0x3FAD] =	sst s0  }
0x9: {  	[smem:$0x3FAE] =	sst s1  }
0xa: {  	[smem:$0x3FAF] =	sst s2  }
0xb: {  	[smem:$0x3FB0] =	sst s3  }
0xc: {  	[smem:$0x3FB1] =	sst s4  }
0xd: {  	[smem:$0x3FB2] =	sst s5  }
0xe: {  	[smem:$0x3FB3] =	sst s6  }
0xf: {  	[smem:$0x3FB4] =	sst s7  }
0x10: {  	[smem:$0x3FB5] =	sst s8  }
0x11: {  	[smem:$0x3FB6] =	sst s9;
	s0 =	simm.s32 @!p0 $0x0  }
0x12: {  	s1 =	sld [smem:$0x3F9C];
	s0 =	simm.s32 @p0 $0x1  }
0x13: {  	[smem:$0x3FB7] =	sst s0;
	s0 =	simm.s32 @!p1 $0x0  }
0x14: {  	s2 =	sld [smem:$0x3F9B];
	s0 =	simm.s32 @p1 $0x1  }
0x15: {  	[smem:$0x3FB8] =	sst s0;
	s0 =	simm.s32 @!p2 $0x0  }
0x16: {  	s3 =	sld [smem:$0x3FDB];
	s0 =	simm.s32 @p2 $0x1  }
0x17: {  	s4 =	simm.s32 $0x1BF5;
	[smem:$0x3FBA] =	sst s0  }
0x18: {  	s0 =	sld [smem:$0x3F9D];
	_ =	swait.ge [sflag:s4], $0x0  }
0x19: {  	s7 =	sld [smem:$0x3F9E]  }
0x1a: {  	s8 =	sadd.s32 $0xFFFFE003, lr  }
0x1b: {  	s9 =	sadd.s32 $0xFFFFFEF7, lr;
	s5 =	simm.s32 $0xFFFFFFFF;
	p2 =	slt.u32 s8, $0xFFFFF086  }
0x1c: {  	p1 =	slt.u32 s9, $0xF7A;
	s5 =	simm.s32 @!p2 $0x0  }
0x1d: {  	s5 =	simm.s32 @p1 $0x1;
	p0 =	seq.s32 s7, s2  }
0x1e: {  	s7 =	smul.u32 @!p0 $0xF7A, s2;
	p2 =	seq.s32 @!p0 s5, $0x0  }
0x1f: {  	s9 =	smul.u32 $0xF7A, s1;
	s8 =	simm.s32 @!p0 $0x1BF5;
	p2 =	por !p2, p0  }
0x20: {  	[sflag:s8] =	ssyncset.s32 @!p0 $0xFFFFF086;
	s6 =	sadd.s32 @!p0 s3, s7;
	s7 =	simm.s32 @!p0 $0x108  }
0x21: {  	s3 =	sadd.s32 s3, s9;
	s6 =	sadd.s32 @!p0 $0x88, s6;
	s7 =	simm.s32 @p2 $0x1082  }
0x22: {  	[simem:s7], [sflag:s8] =	dma.local @!p0 [hbm:s6], $0xF7A  }
0x23: {  	s9 =	sor.u32 $0xD0000000, s2;
	s6 =	simm.s32 $0x108;
	_ =	swait.ge @!p0 [sflag:s8], $0x0  }
0x24: {  	s3 =	sadd.s32 $0x88, s3;
	s6 =	simm.s32 @!p1 $0x1082;
	[sflag:s4] =	ssyncset.s32 $0xFFFFF086  }
0x25: {  	[simem:s6], [sflag:s4] =	dma.local [hbm:s3], $0xF7A  }
0x26: {  	[smem:$0x3F9E] =	sst s1;
	(tag) =	ssettag s2;
	_ =	strace s9  }
0x27: {  	s1 =	sld [smem:$0x3FAE]  }
0x28: {  	s2 =	sld [smem:$0x3FAF]  }
0x29: {  	s4 =	sld [smem:$0x3FB1]  }
0x2a: {  	p0 =	seq.s32 s5, $0x0;
	s5 =	sld [smem:$0x3FB2]  }
0x2b: {  	s6 =	sld [smem:$0x3FB3]  }
0x2c: {  	s7 =	sld [smem:$0x3FB4]  }
0x2d: {  	s3 =	simm.s32 $0x108;
	s8 =	sld [smem:$0x3FB5]  }
0x2e: {  	s3 =	simm.s32 @!p0 $0x1082;
	s9 =	sld [smem:$0x3FB6]  }
0x2f: {  	lr =	sadd.s32 s0, s3;
	s0 =	sld [smem:$0x3FAD]  }
0x30: {  	s3 =	sld [smem:$0x3FB0]  }
0x31: {  	[smem:$0x3FB9] =	sst s10  }
0x32: {  	s10 =	sld [smem:$0x3FB7];
	_ =	sdelay $0x3  }
0x33: {  	p0 =	seq.s32 s10, $0x1;
	s10 =	sld [smem:$0x3FB9];
	_ =	sdelay $0x3  }
0x34: {  	[smem:$0x3FB9] =	sst s10  }
0x35: {  	s10 =	sld [smem:$0x3FB8];
	_ =	sdelay $0x3  }
0x36: {  	p1 =	seq.s32 s10, $0x1;
	s10 =	sld [smem:$0x3FB9];
	_ =	sdelay $0x3  }
0x37: {  	[smem:$0x3FB9] =	sst s10  }
0x38: {  	s10 =	sld [smem:$0x3FBA]  }
0x39: {  	_ = 	snop;
	(pc) =	sbr.ind lr, $3  }
0x3a: {  	_ = 	snop  }
0x3b: {  	_ = 	snop  }
0x3c: {  	p2 =	seq.s32 s10, $0x1;
	s10 =	sld [smem:$0x3FB9]  }
0x3d: {  	_ =	shalt  }
0x3e: {  	_ =	shalt  }
0x3f: {  	_ =	shalt  }
0x40: {  	_ =	shalt  }
0x41: {  	_ =	shalt  }
0x42: {  	_ =	shalt  }
0x43: {  	_ =	shalt  }
0x44: {  	_ =	shalt  }
0x45: {  	_ =	shalt  }
0x46: {  	_ =	shalt  }
0x47: {  	_ =	shalt  }
0x48: {  	_ =	shalt  }
0x49: {  	_ =	shalt  }
0x4a: {  	_ =	shalt  }
0x4b: {  	_ =	shalt  }
0x4c: {  	_ =	shalt  }
0x4d: {  	_ =	shalt  }
0x4e: {  	_ =	shalt  }
0x4f: {  	_ =	shalt  }
0x50: {  	_ =	shalt  }
0x51: {  	_ =	shalt  }
0x52: {  	_ =	shalt  }
0x53: {  	_ =	shalt  }
0x54: {  	_ =	shalt  }
0x55: {  	_ =	shalt  }
0x56: {  	_ =	shalt  }
0x57: {  	_ =	shalt  }
0x58: {  	_ =	shalt  }
0x59: {  	_ =	shalt  }
0x5a: {  	_ =	shalt  }
0x5b: {  	_ =	shalt  }
0x5c: {  	_ =	shalt  }
0x5d: {  	_ =	shalt  }
0x5e: {  	_ =	shalt  }
0x5f: {  	_ =	shalt  }
0x60: {  	_ =	shalt  }
0x61: {  	_ =	shalt  }
0x62: {  	_ =	shalt  }
0x63: {  	_ =	shalt  }
0x64: {  	_ =	shalt  }
0x65: {  	_ =	shalt  }
0x66: {  	_ =	shalt  }
0x67: {  	_ =	shalt  }
0x68: {  	_ =	shalt  }
0x69: {  	_ =	shalt  }
0x6a: {  	_ =	shalt  }
0x6b: {  	_ =	shalt  }
0x6c: {  	_ =	shalt  }
0x6d: {  	_ =	shalt  }
0x6e: {  	_ =	shalt  }
0x6f: {  	_ =	shalt  }
0x70: {  	_ =	shalt  }
0x71: {  	_ =	shalt  }
0x72: {  	_ =	shalt  }
0x73: {  	_ =	shalt  }
0x74: {  	_ =	shalt  }
0x75: {  	_ =	shalt  }
0x76: {  	_ =	shalt  }
0x77: {  	_ =	shalt  }
0x78: {  	_ =	shalt  }
0x79: {  	_ =	shalt  }
0x7a: {  	_ =	shalt  }
0x7b: {  	_ =	shalt  }
0x7c: {  	_ =	shalt  }
0x7d: {  	_ =	shalt  }
0x7e: {  	_ =	shalt  }
0x7f: {  	_ =	shalt  }
0x80: {  	_ =	shalt  }
0x81: {  	_ =	shalt  }
0x82: {  	_ =	shalt  }
0x83: {  	_ =	shalt  }
0x84: {  	_ =	shalt  }
0x85: {  	_ =	shalt  }
0x86: {  	_ =	shalt  }
0x87: {  	_ =	shalt  }
.Lfunc_end0:
.L_simem_size_0:
called_computation_lowered:
.L_overlay_start_0:
0x88: {  	s2 =	sld [smem:$0x3FD9]  }
0x89: {  	s3 =	sld [smem:$0x3FFE];
	_ =	sdelay $0x1  }
0x8a: {  	s1 =	srdreg.scid  }
0x8b: {  	s0 =	sand.u32 $0x1, s1  }
0x8c: {  	s17 =	sshll.u32 s0, $0xA;
	s2 =	sadd.s32 s3, s2  }
0x8d: {  	s2 =	sadd.s32 s2, s17  }
0x8e: {  	[smem:$0x3FC5] =	sst s2  }
0x8f: {  	_ = 	snop  }
0x90: {  	s2 =	sld [smem:$0x3FC8];
	(tm) =	ssettm $0x1  }
0x91: {  	s18 =	sld [smem:$0x3FFB];
	_ =	sdelay $0x3  }
0x92: {  	_ =	strace s18  }
0x93: {  	s3 =	sld [smem:$0x3FFC];
	_ =	sdelay $0x3  }
0x94: {  	_ =	strace s3  }
0x95: {  	s3 =	sld [smem:$0x3FFD];
	_ =	sdelay $0x3  }
0x96: {  	_ =	strace s3  }
0x97: {  	_ =	strace $0x8FFFFFFF  }
0x98: {  	s19 =	sld [smem:$0x3FDB];
	_ =	sdelay $0x1  }
0x99: {  	s4 =	simm.s32 $_scs_section_size  }
0x9a: {  	s5 =	simm.s32 $_size__tile_overlayer_lowered;
	s6 =	simm.s32 $_tile_overlayer_lowered  }
0x9b: {  	s22 =	simm.s32 $0x1BFF;
	s21 =	sshll.u32 s6, $0x1;
	s3 =	sadd.s32 s4, s19  }
0x9c: {  	s7 =	simm.s32 $0x0;
	s20 =	sshll.u32 s5, $0x1;
	s5 =	sadd.s32 s21, s3  }
0x9d: {  	[timem:s7], [sflag:s22] =	dma.local [hbm:s5], s20  }
0x9e: {  	_ =	swait.ge [sflag:s22], s20  }
0x9f: {  	s4 =	ssub.s32 $0x0, s20;
	[sflag:s22] =	ssyncset.done $0x0  }
0xa0: {  	[sflag:s22] =	ssyncadd.s32 s4;
	_ =	sdelay $0x1  }
0xa1: {  	s23 =	simm.s32 $0x1B8B  }
0xa2: {  	_ =	swait.ge [sflag:s23], $0x1  }
0xa3: {  	[sflag:s23] =	ssyncset.done $0x0  }
0xa4: {  	s25 =	simm.s32 $0x1B8E;
	s24 =	sld [smem:$0x3FFE];
	[sflag:s23] =	ssyncadd.s32 $0xFFFFFFFF  }
0xa5: {  	s26 =	simm.s32 $execute0_lowered;
	[smem:$0x3FD2] =	sst s25  }
0xa6: {  	s5 =	sshll.u32 s26, $0x1;
	_ =	strace $0x80000046;
	[dreg:$0x1] =	wrdreg $0xFFFFFFFF  }
0xa7: {  	s28 =	simm.s32 $_size_execute0_lowered;
	s3 =	sadd.s32 s3, s5;
	[dreg:$0x0] =	wrdreg $0x0  }
0xa8: {  	s5 =	sshll.u32 s28, $0x1;
	[dreg:$0x2] =	wrdreg s3  }
0xa9: {  	[dreg:$0x3] =	wrdreg s5  }
0xaa: {  	[dreg:$0x4] =	wrdreg $0xC0  }
0xab: {  	_ =	task [dreg:s7], $0x5FFFF  }
0xac: {  	[dreg:$0x1] =	wrdreg $0xFFFFFFFF  }
0xad: {  	[dreg:$0x0] =	wrdreg $0x60  }
0xae: {  	[dreg:$0x2] =	wrdreg s24  }
0xaf: {  	[dreg:$0x3] =	wrdreg s2  }
0xb0: {  	[dreg:$0x4] =	wrdreg $0x9  }
0xb1: {  	_ =	task.clear_ibuf [dreg:s7], $0x5FFFF;
	_ =	strace $0x90000046  }
0xb2: {  	s29 =	simm.s32 $0x9;
	_ =	strace $0x80000048  }
0xb3: {  	_ =	swait.ge [sflag:s29], $0x1  }
0xb4: {  	[sflag:s29] =	ssyncadd.s32 $0xFFFFFFFF  }
0xb5: {  	_ =	strace $0x90000048  }
0xb6: {  	_ =	sfence  }
0xb7: {  	s30 =	sld [smem:$0x0];
	_ =	sdelay $0x2  }
0xb8: {  	s31 =	sshll.u32 s1, $0xD;
	s1 =	sshrl.u32 s1, $0x2  }
0xb9: {  	s3 =	sand.u32 $0x4000, s31;
	s1 =	sadd.s32 s1, s30  }
0xba: {  	s0 =	sor.u32 s3, s0;
	s1 =	sshll.u32 s1, $0x11  }
0xbb: {  	s0 =	sor.u32 s1, s0  }
0xbc: {  	s0 =	sadd.s32 $0x8F2B, s0  }
0xbd: {  	[sflag:s0] =	ssyncadd.remote.s32 $0x1  }
0xbe: {  	_ =	sfence.sel $0xFFFF  }
0xbf: {  	[dreg:$0x0] =	wrdreg $0xFFFFFFFF;
	(pc) =	sbr.abs _section_cstart, $3  }
0xc0: {  	[dreg:$0x1] =	wrdreg $0xFFFFFFFF  }
0xc1: {  	_ =	task.clear_ibuf [dreg:s7], $0x2FFFF;
	_ =	strace $0x9FFFFFFF  }
0xc2: {  	(tm) =	ssettm $0x7FFFFFFF  }
0xc3: {  	_ =	shalt  }
tec
execute0_lowered:
.L_overlay_start_1:
0x0: {  	(tag) =	ssettag $0x1  }
0x1: {  	s0 =	rddreg [dreg:$0x0]  }
0x2: {  	s1 =	rddreg [dreg:$0x1]  }
0x3: {  	s7 =	simm.s32 $0x0;
	s4 =	stileid.u32;
	s23 =	srdreg.scid  }
0x4: {  	s9 =	simm.s32 $0x80;
	s16 =	simm.s32 $0x500;
	s17 =	simm.s32 $0x600  }
0x5: {  	s11 =	simm.s32 $0x180;
	s18 =	simm.s32 $0x700;
	s12 =	simm.s32 $0x200  }
0x6: {  	s19 =	simm.s32 $0x800;
	s13 =	simm.s32 $0x280;
	s20 =	simm.s32 $0x900  }
0x7: {  	s14 =	simm.s32 $0x300;
	s21 =	simm.s32 $0xA00;
	s15 =	simm.s32 $0x380  }
0x8: {  	s22 =	simm.s32 $0xB00;
	p0 =	por $0x0, $0x0;
	s28 =	simm.s32 $0x880  }
0x9: {  	s29 =	simm.s32 $0x980;
	s30 =	simm.s32 $0xA80;
	[dreg:$0x3] =	wrdreg s1  }
0xa: {  	s31 =	simm.s32 $0xB80;
	[smem:$0x7FF] =	sst s7;
	s1 =	sand.u32 $0x1, s23  }
0xb: {  	s2 =	sshll.u32 s4, $0x1;
	s3 =	sadd.s32 $0xA00, s0;
	s4 =	sshll.u32 s4, $0x9  }
0xc: {  	s23 =	simm.s32 $0x480;
	s2 =	sor.u32 s1, s2;
	s1 =	ssub.s32 $0x2, s1  }
0xd: {  	_ =	strace $0x80000047;
	s4 =	sand.u32 $0x1C00, s4;
	s24 =	sshrl.u32 s1, $0x1  }
0xe: {  	s5 =	smul.u32 $0x30D40, s2;
	s0 =	sadd.s32 s4, s0;
	s1 =	ssub.s32 s1, s24  }
0xf: {  	s6 =	sshll.u32 s2, $0x5;
	s2 =	smul.u32 $0x61A8, s2;
	s26 =	smax.u32 s1, $0x1  }
0x10: {  	s4 =	simm.s32 $0x400;
	s6 =	sand.u32 $0x60, s6;
	p1 =	sne.s32 s26, $0x1  }
.Ltmp0:
0x11: {  	s24 =	simm.s32 $0x580;
	s5 =	sshrl.u32 s5, $0x3;
	(pc) =	sbr.rel @!p1 .LBB2_3-.Ltmp0, $4  }
0x12: {  	s0 =	sadd.s32 s6, s0;
	s10 =	sadd.s32 s3, s2;
	s2 =	simm.s32 $0x2  }
0x13: {  	s6 =	simm.s32 $0x1;
	s1 =	rddreg [dreg:$0x3];
	s25 =	sadd.s32 s3, s5  }
0x14: {  	s3 =	sadd.s32 $0xC4000, s0;
	s5 =	simm.s32 $0x100;
	s0 =	sadd.s32 $0xFFFFFFFF, s26  }
0x15: {  	s26 =	simm.s32 $0x780;
	s8 =	sadd.s32 $0x30D4, s25;
	s25 =	simm.s32 $0x680  }
0x16: {  	[tilespmem:s7], [sflag:$0x2] =	stream.linear.gather [hbm4b:s1+s7], $0x400, $0x38;
	[tilespmem:$0xC00] =	vst v63  }
0x17: {  	_ =	swait.ge [sflag:s2], $0x400  }
0x18: {  	[sflag:s2] =	ssyncset.done $0x0  }
0x19: {  	[sflag:s2] =	ssyncadd.s32 $0xFFFFFC00  }
0x1a: {  	[tilespmem:s4], [sflag:$0x1] =	stream.indirect.gather [hbm4b:s10+s9], $0x1, s7, s9, $0xb8;
	[tilespmem:$0xC00] =	vst v63  }
0x1b: {  	_ = 	snop  }
0x1c: {  	[tilespmem:s16], [sflag:$0x1] =	stream.indirect.gather [hbm4b:s10+s9], $0x1, s9, s9, $0xb8;
	[tilespmem:$0xC00] =	vst v63  }
0x1d: {  	_ = 	snop  }
0x1e: {  	[tilespmem:s17], [sflag:$0x1] =	stream.indirect.gather [hbm4b:s10+s9], $0x1, s5, s9, $0xb8;
	[tilespmem:$0xC00] =	vst v63  }
0x1f: {  	_ = 	snop  }
0x20: {  	[tilespmem:s18], [sflag:$0x1] =	stream.indirect.gather [hbm4b:s10+s9], $0x1, s11, s9, $0xb8;
	[tilespmem:$0xC00] =	vst v63  }
0x21: {  	_ = 	snop  }
0x22: {  	[tilespmem:s19], [sflag:$0x1] =	stream.indirect.gather [hbm4b:s10+s9], $0x1, s12, s9, $0xb8;
	[tilespmem:$0xC00] =	vst v63  }
0x23: {  	_ = 	snop  }
0x24: {  	[tilespmem:s20], [sflag:$0x1] =	stream.indirect.gather [hbm4b:s10+s9], $0x1, s13, s9, $0xb8;
	[tilespmem:$0xC00] =	vst v63  }
0x25: {  	_ = 	snop  }
0x26: {  	[tilespmem:s21], [sflag:$0x1] =	stream.indirect.gather [hbm4b:s10+s9], $0x1, s14, s9, $0xb8;
	[tilespmem:$0xC00] =	vst v63  }
0x27: {  	_ = 	snop  }
0x28: {  	[tilespmem:s22], [sflag:$0x1] =	stream.indirect.gather [hbm4b:s10+s9], $0x1, s15, s9, $0xb8;
	[tilespmem:$0xC00] =	vst v63  }
0x29: {  	_ = 	snop  }
0x2a: {  	[tilespmem:s23], [sflag:$0x1] =	stream.indirect.gather [hbm4b:s8+s9], $0x1, s7, s9, $0xb8;
	[tilespmem:$0xC00] =	vst v63  }
0x2b: {  	_ = 	snop  }
0x2c: {  	[tilespmem:s24], [sflag:$0x1] =	stream.indirect.gather [hbm4b:s8+s9], $0x1, s9, s9, $0xb8;
	[tilespmem:$0xC00] =	vst v63  }
0x2d: {  	_ = 	snop  }
0x2e: {  	[tilespmem:s25], [sflag:$0x1] =	stream.indirect.gather [hbm4b:s8+s9], $0x1, s5, s9, $0xb8;
	[tilespmem:$0xC00] =	vst v63  }
0x2f: {  	_ = 	snop  }
0x30: {  	[tilespmem:s26], [sflag:$0x1] =	stream.indirect.gather [hbm4b:s8+s9], $0x1, s11, s9, $0xb8;
	[tilespmem:$0xC00] =	vst v63  }
0x31: {  	_ = 	snop  }
0x32: {  	[tilespmem:s28], [sflag:$0x1] =	stream.indirect.gather [hbm4b:s8+s9], $0x1, s12, s9, $0xb8;
	[tilespmem:$0xC00] =	vst v63  }
0x33: {  	_ = 	snop  }
0x34: {  	[tilespmem:s29], [sflag:$0x1] =	stream.indirect.gather [hbm4b:s8+s9], $0x1, s13, s9, $0xb8;
	[tilespmem:$0xC00] =	vst v63  }
0x35: {  	_ = 	snop  }
0x36: {  	[tilespmem:s30], [sflag:$0x1] =	stream.indirect.gather [hbm4b:s8+s9], $0x1, s14, s9, $0xb8;
	[tilespmem:$0xC00] =	vst v63  }
0x37: {  	_ = 	snop  }
0x38: {  	[tilespmem:s31], [sflag:$0x1] =	stream.indirect.gather [hbm4b:s8+s9], $0x1, s15, s9, $0xb8;
	[tilespmem:$0xC00] =	vst v63  }
0x39: {  	_ =	swait.ge [sflag:s6], $0x80  }
0x3a: {  	[sflag:s6] =	ssyncset.done $0x0  }
0x3b: {  	[sflag:s6] =	ssyncadd.s32 $0xFFFFFF80  }
0x3c: {  	_ =	swait.ge [sflag:s6], $0x80  }
0x3d: {  	[sflag:s6] =	ssyncset.done $0x0  }
0x3e: {  	[sflag:s6] =	ssyncadd.s32 $0xFFFFFF80  }
0x3f: {  	_ =	swait.ge [sflag:s6], $0x80  }
0x40: {  	[sflag:s6] =	ssyncset.done $0x0  }
0x41: {  	[sflag:s6] =	ssyncadd.s32 $0xFFFFFF80  }
0x42: {  	_ =	swait.ge [sflag:s6], $0x80  }
0x43: {  	[sflag:s6] =	ssyncset.done $0x0  }
0x44: {  	[sflag:s6] =	ssyncadd.s32 $0xFFFFFF80  }
0x45: {  	_ =	swait.ge [sflag:s6], $0x80  }
0x46: {  	[sflag:s6] =	ssyncset.done $0x0  }
0x47: {  	[sflag:s6] =	ssyncadd.s32 $0xFFFFFF80  }
0x48: {  	_ =	swait.ge [sflag:s6], $0x80  }
0x49: {  	[sflag:s6] =	ssyncset.done $0x0  }
0x4a: {  	[sflag:s6] =	ssyncadd.s32 $0xFFFFFF80  }
0x4b: {  	_ =	swait.ge [sflag:s6], $0x80  }
0x4c: {  	[sflag:s6] =	ssyncset.done $0x0  }
0x4d: {  	[sflag:s6] =	ssyncadd.s32 $0xFFFFFF80  }
0x4e: {  	_ =	swait.ge [sflag:s6], $0x80  }
0x4f: {  	[sflag:s6] =	ssyncset.done $0x0  }
0x50: {  	[sflag:s6] =	ssyncadd.s32 $0xFFFFFF80  }
0x51: {  	_ =	swait.ge [sflag:s6], $0x80  }
0x52: {  	[sflag:s6] =	ssyncset.done $0x0  }
0x53: {  	[sflag:s6] =	ssyncadd.s32 $0xFFFFFF80  }
0x54: {  	_ =	swait.ge [sflag:s6], $0x80  }
0x55: {  	[sflag:s6] =	ssyncset.done $0x0  }
0x56: {  	[sflag:s6] =	ssyncadd.s32 $0xFFFFFF80  }
0x57: {  	_ =	swait.ge [sflag:s6], $0x80  }
0x58: {  	[sflag:s6] =	ssyncset.done $0x0  }
0x59: {  	[sflag:s6] =	ssyncadd.s32 $0xFFFFFF80  }
0x5a: {  	_ =	swait.ge [sflag:s6], $0x80  }
0x5b: {  	[sflag:s6] =	ssyncset.done $0x0  }
0x5c: {  	[sflag:s6] =	ssyncadd.s32 $0xFFFFFF80  }
0x5d: {  	_ =	swait.ge [sflag:s6], $0x80  }
0x5e: {  	[sflag:s6] =	ssyncset.done $0x0  }
0x5f: {  	[sflag:s6] =	ssyncadd.s32 $0xFFFFFF80  }
0x60: {  	_ =	swait.ge [sflag:s6], $0x80  }
0x61: {  	[sflag:s6] =	ssyncset.done $0x0  }
0x62: {  	[sflag:s6] =	ssyncadd.s32 $0xFFFFFF80  }
0x63: {  	_ =	swait.ge [sflag:s6], $0x80  }
0x64: {  	[sflag:s6] =	ssyncset.done $0x0  }
0x65: {  	[sflag:s6] =	ssyncadd.s32 $0xFFFFFF80  }
0x66: {  	p1 =	sne.s32 s0, $0x1;
	_ =	swait.ge [sflag:s6], $0x80  }
.Ltmp1:
0x67: {  	[sflag:s6] =	ssyncset.done $0x0;
	(pc) =	sbr.rel @!p1 .LBB2_3-.Ltmp1, $4  }
0x68: {  	[sflag:s6] =	ssyncadd.s32 $0xFFFFFF80  }
0x69: {  	[hbm4b:s3+s5] =	stream.strided.scatter [tilespmem:s4], [sflag:$0x2], $0x800, s4, s5, $0x38;
	[tilespmem:$0xC00] =	vst v63  }
0x6a: {  	s0 =	sadd.s32 $0xFFFFFFFF, s0;
	_ =	swait.ge [sflag:s2], $0x800  }
0x6b: {  	p0 =	por $0x1, $0x1;
	s1 =	rddreg [dreg:$0x3];
	[sflag:s2] =	ssyncset.done $0x0  }
.LBB2_2:
0x6c: {  	[sflag:s2] =	ssyncadd.s32 $0xFFFFF800  }
0x6d: {  	[tilespmem:s7], [sflag:$0x2] =	stream.linear.gather [hbm4b:s1+s7], $0x400, $0x38;
	[tilespmem:$0xC00] =	vst v63  }
0x6e: {  	_ =	swait.ge [sflag:s2], $0x400  }
0x6f: {  	[sflag:s2] =	ssyncset.done $0x0  }
0x70: {  	[sflag:s2] =	ssyncadd.s32 $0xFFFFFC00  }
0x71: {  	[tilespmem:s4], [sflag:$0x1] =	stream.indirect.gather [hbm4b:s10+s9], $0x1, s7, s9, $0xb8;
	[tilespmem:$0xC00] =	vst v63  }
0x72: {  	_ = 	snop  }
0x73: {  	[tilespmem:s16], [sflag:$0x1] =	stream.indirect.gather [hbm4b:s10+s9], $0x1, s9, s9, $0xb8;
	[tilespmem:$0xC00] =	vst v63  }
0x74: {  	_ = 	snop  }
0x75: {  	[tilespmem:s17], [sflag:$0x1] =	stream.indirect.gather [hbm4b:s10+s9], $0x1, s5, s9, $0xb8;
	[tilespmem:$0xC00] =	vst v63  }
0x76: {  	_ = 	snop  }
0x77: {  	[tilespmem:s18], [sflag:$0x1] =	stream.indirect.gather [hbm4b:s10+s9], $0x1, s11, s9, $0xb8;
	[tilespmem:$0xC00] =	vst v63  }
0x78: {  	_ = 	snop  }
0x79: {  	[tilespmem:s19], [sflag:$0x1] =	stream.indirect.gather [hbm4b:s10+s9], $0x1, s12, s9, $0xb8;
	[tilespmem:$0xC00] =	vst v63  }
0x7a: {  	_ = 	snop  }
0x7b: {  	[tilespmem:s20], [sflag:$0x1] =	stream.indirect.gather [hbm4b:s10+s9], $0x1, s13, s9, $0xb8;
	[tilespmem:$0xC00] =	vst v63  }
0x7c: {  	_ = 	snop  }
0x7d: {  	[tilespmem:s21], [sflag:$0x1] =	stream.indirect.gather [hbm4b:s10+s9], $0x1, s14, s9, $0xb8;
	[tilespmem:$0xC00] =	vst v63  }
0x7e: {  	_ = 	snop  }
0x7f: {  	[tilespmem:s22], [sflag:$0x1] =	stream.indirect.gather [hbm4b:s10+s9], $0x1, s15, s9, $0xb8;
	[tilespmem:$0xC00] =	vst v63  }
0x80: {  	_ = 	snop  }
0x81: {  	[tilespmem:s23], [sflag:$0x1] =	stream.indirect.gather [hbm4b:s8+s9], $0x1, s7, s9, $0xb8;
	[tilespmem:$0xC00] =	vst v63  }
0x82: {  	_ = 	snop  }
0x83: {  	[tilespmem:s24], [sflag:$0x1] =	stream.indirect.gather [hbm4b:s8+s9], $0x1, s9, s9, $0xb8;
	[tilespmem:$0xC00] =	vst v63  }
0x84: {  	_ = 	snop  }
0x85: {  	[tilespmem:s25], [sflag:$0x1] =	stream.indirect.gather [hbm4b:s8+s9], $0x1, s5, s9, $0xb8;
	[tilespmem:$0xC00] =	vst v63  }
0x86: {  	_ = 	snop  }
0x87: {  	[tilespmem:s26], [sflag:$0x1] =	stream.indirect.gather [hbm4b:s8+s9], $0x1, s11, s9, $0xb8;
	[tilespmem:$0xC00] =	vst v63  }
0x88: {  	_ = 	snop  }
0x89: {  	[tilespmem:s28], [sflag:$0x1] =	stream.indirect.gather [hbm4b:s8+s9], $0x1, s12, s9, $0xb8;
	[tilespmem:$0xC00] =	vst v63  }
0x8a: {  	_ = 	snop  }
0x8b: {  	[tilespmem:s29], [sflag:$0x1] =	stream.indirect.gather [hbm4b:s8+s9], $0x1, s13, s9, $0xb8;
	[tilespmem:$0xC00] =	vst v63  }
0x8c: {  	_ = 	snop  }
0x8d: {  	[tilespmem:s30], [sflag:$0x1] =	stream.indirect.gather [hbm4b:s8+s9], $0x1, s14, s9, $0xb8;
	[tilespmem:$0xC00] =	vst v63  }
0x8e: {  	_ = 	snop  }
0x8f: {  	[tilespmem:s31], [sflag:$0x1] =	stream.indirect.gather [hbm4b:s8+s9], $0x1, s15, s9, $0xb8;
	[tilespmem:$0xC00] =	vst v63  }
0x90: {  	_ =	swait.ge [sflag:s6], $0x80  }
0x91: {  	[sflag:s6] =	ssyncset.done $0x0  }
0x92: {  	[sflag:s6] =	ssyncadd.s32 $0xFFFFFF80  }
0x93: {  	_ =	swait.ge [sflag:s6], $0x80  }
0x94: {  	[sflag:s6] =	ssyncset.done $0x0  }
0x95: {  	[sflag:s6] =	ssyncadd.s32 $0xFFFFFF80  }
0x96: {  	_ =	swait.ge [sflag:s6], $0x80  }
0x97: {  	[sflag:s6] =	ssyncset.done $0x0  }
0x98: {  	[sflag:s6] =	ssyncadd.s32 $0xFFFFFF80  }
0x99: {  	_ =	swait.ge [sflag:s6], $0x80  }
0x9a: {  	[sflag:s6] =	ssyncset.done $0x0  }
0x9b: {  	[sflag:s6] =	ssyncadd.s32 $0xFFFFFF80  }
0x9c: {  	_ =	swait.ge [sflag:s6], $0x80  }
0x9d: {  	[sflag:s6] =	ssyncset.done $0x0  }
0x9e: {  	[sflag:s6] =	ssyncadd.s32 $0xFFFFFF80  }
0x9f: {  	_ =	swait.ge [sflag:s6], $0x80  }
0xa0: {  	[sflag:s6] =	ssyncset.done $0x0  }
0xa1: {  	[sflag:s6] =	ssyncadd.s32 $0xFFFFFF80  }
0xa2: {  	_ =	swait.ge [sflag:s6], $0x80  }
0xa3: {  	[sflag:s6] =	ssyncset.done $0x0  }
0xa4: {  	[sflag:s6] =	ssyncadd.s32 $0xFFFFFF80  }
0xa5: {  	_ =	swait.ge [sflag:s6], $0x80  }
0xa6: {  	[sflag:s6] =	ssyncset.done $0x0  }
0xa7: {  	[sflag:s6] =	ssyncadd.s32 $0xFFFFFF80  }
0xa8: {  	_ =	swait.ge [sflag:s6], $0x80  }
0xa9: {  	[sflag:s6] =	ssyncset.done $0x0  }
0xaa: {  	[sflag:s6] =	ssyncadd.s32 $0xFFFFFF80  }
0xab: {  	_ =	swait.ge [sflag:s6], $0x80  }
0xac: {  	[sflag:s6] =	ssyncset.done $0x0  }
0xad: {  	[sflag:s6] =	ssyncadd.s32 $0xFFFFFF80  }
0xae: {  	_ =	swait.ge [sflag:s6], $0x80  }
0xaf: {  	[sflag:s6] =	ssyncset.done $0x0  }
0xb0: {  	[sflag:s6] =	ssyncadd.s32 $0xFFFFFF80  }
0xb1: {  	_ =	swait.ge [sflag:s6], $0x80  }
0xb2: {  	[sflag:s6] =	ssyncset.done $0x0  }
0xb3: {  	[sflag:s6] =	ssyncadd.s32 $0xFFFFFF80  }
0xb4: {  	_ =	swait.ge [sflag:s6], $0x80  }
0xb5: {  	[sflag:s6] =	ssyncset.done $0x0  }
0xb6: {  	[sflag:s6] =	ssyncadd.s32 $0xFFFFFF80  }
0xb7: {  	_ =	swait.ge [sflag:s6], $0x80  }
0xb8: {  	[sflag:s6] =	ssyncset.done $0x0  }
0xb9: {  	[sflag:s6] =	ssyncadd.s32 $0xFFFFFF80  }
0xba: {  	_ =	swait.ge [sflag:s6], $0x80  }
0xbb: {  	[sflag:s6] =	ssyncset.done $0x0  }
0xbc: {  	[sflag:s6] =	ssyncadd.s32 $0xFFFFFF80  }
0xbd: {  	p1 =	sne.s32 s0, $0x1;
	_ =	swait.ge [sflag:s6], $0x80  }
.Ltmp2:
0xbe: {  	[sflag:s6] =	ssyncset.done $0x0;
	(pc) =	sbr.rel @p1 .LBB2_2-.Ltmp2, $4  }
0xbf: {  	[sflag:s6] =	ssyncadd.s32 $0xFFFFFF80  }
0xc0: {  	[hbm4b:s3+s5] =	stream.strided.scatter [tilespmem:s4], [sflag:$0x2], $0x800, s4, s5, $0x38;
	[tilespmem:$0xC00] =	vst v63  }
0xc1: {  	_ =	swait.ge [sflag:s2], $0x800  }
0xc2: {  	s0 =	sadd.s32 $0xFFFFFFFF, s0;
	s1 =	rddreg [dreg:$0x3];
	[sflag:s2] =	ssyncset.done $0x0  }
.LBB2_3:
0xc3: {  	[sflag:s2] =	ssyncadd.s32 @p0 $0xFFFFF800  }
0xc4: {  	[tilespmem:s7], [sflag:$0x2] =	stream.linear.gather [hbm4b:s1+s7], $0x400, $0x38;
	[tilespmem:$0xC00] =	vst v63  }
0xc5: {  	_ =	swait.ge [sflag:s2], $0x400  }
0xc6: {  	[sflag:s2] =	ssyncset.done $0x0  }
0xc7: {  	[sflag:s2] =	ssyncadd.s32 $0xFFFFFC00  }
0xc8: {  	[tilespmem:s4], [sflag:$0x1] =	stream.indirect.gather [hbm4b:s10+s9], $0x1, s7, s9, $0xb8;
	[tilespmem:$0xC00] =	vst v63  }
0xc9: {  	_ = 	snop  }
0xca: {  	[tilespmem:s16], [sflag:$0x1] =	stream.indirect.gather [hbm4b:s10+s9], $0x1, s9, s9, $0xb8;
	[tilespmem:$0xC00] =	vst v63  }
0xcb: {  	_ = 	snop  }
0xcc: {  	[tilespmem:s17], [sflag:$0x1] =	stream.indirect.gather [hbm4b:s10+s9], $0x1, s5, s9, $0xb8;
	[tilespmem:$0xC00] =	vst v63  }
0xcd: {  	_ = 	snop  }
0xce: {  	[tilespmem:s18], [sflag:$0x1] =	stream.indirect.gather [hbm4b:s10+s9], $0x1, s11, s9, $0xb8;
	[tilespmem:$0xC00] =	vst v63  }
0xcf: {  	_ = 	snop  }
0xd0: {  	[tilespmem:s19], [sflag:$0x1] =	stream.indirect.gather [hbm4b:s10+s9], $0x1, s12, s9, $0xb8;
	[tilespmem:$0xC00] =	vst v63  }
0xd1: {  	_ = 	snop  }
0xd2: {  	[tilespmem:s20], [sflag:$0x1] =	stream.indirect.gather [hbm4b:s10+s9], $0x1, s13, s9, $0xb8;
	[tilespmem:$0xC00] =	vst v63  }
0xd3: {  	_ = 	snop  }
0xd4: {  	[tilespmem:s21], [sflag:$0x1] =	stream.indirect.gather [hbm4b:s10+s9], $0x1, s14, s9, $0xb8;
	[tilespmem:$0xC00] =	vst v63  }
0xd5: {  	_ = 	snop  }
0xd6: {  	[tilespmem:s22], [sflag:$0x1] =	stream.indirect.gather [hbm4b:s10+s9], $0x1, s15, s9, $0xb8;
	[tilespmem:$0xC00] =	vst v63  }
0xd7: {  	_ = 	snop  }
0xd8: {  	[tilespmem:s23], [sflag:$0x1] =	stream.indirect.gather [hbm4b:s8+s9], $0x1, s7, s9, $0xb8;
	[tilespmem:$0xC00] =	vst v63  }
0xd9: {  	_ = 	snop  }
0xda: {  	[tilespmem:s24], [sflag:$0x1] =	stream.indirect.gather [hbm4b:s8+s9], $0x1, s9, s9, $0xb8;
	[tilespmem:$0xC00] =	vst v63  }
0xdb: {  	_ = 	snop  }
0xdc: {  	[tilespmem:s25], [sflag:$0x1] =	stream.indirect.gather [hbm4b:s8+s9], $0x1, s5, s9, $0xb8;
	[tilespmem:$0xC00] =	vst v63  }
0xdd: {  	_ = 	snop  }
0xde: {  	[tilespmem:s26], [sflag:$0x1] =	stream.indirect.gather [hbm4b:s8+s9], $0x1, s11, s9, $0xb8;
	[tilespmem:$0xC00] =	vst v63  }
0xdf: {  	_ = 	snop  }
0xe0: {  	[tilespmem:s28], [sflag:$0x1] =	stream.indirect.gather [hbm4b:s8+s9], $0x1, s12, s9, $0xb8;
	[tilespmem:$0xC00] =	vst v63  }
0xe1: {  	_ = 	snop  }
0xe2: {  	[tilespmem:s29], [sflag:$0x1] =	stream.indirect.gather [hbm4b:s8+s9], $0x1, s13, s9, $0xb8;
	[tilespmem:$0xC00] =	vst v63  }
0xe3: {  	_ = 	snop  }
0xe4: {  	[tilespmem:s30], [sflag:$0x1] =	stream.indirect.gather [hbm4b:s8+s9], $0x1, s14, s9, $0xb8;
	[tilespmem:$0xC00] =	vst v63  }
0xe5: {  	_ = 	snop  }
0xe6: {  	[tilespmem:s31], [sflag:$0x1] =	stream.indirect.gather [hbm4b:s8+s9], $0x1, s15, s9, $0xb8;
	[tilespmem:$0xC00] =	vst v63  }
0xe7: {  	_ =	swait.ge [sflag:s6], $0x80  }
0xe8: {  	[sflag:s6] =	ssyncset.done $0x0  }
0xe9: {  	[sflag:s6] =	ssyncadd.s32 $0xFFFFFF80  }
0xea: {  	_ =	swait.ge [sflag:s6], $0x80  }
0xeb: {  	[sflag:s6] =	ssyncset.done $0x0  }
0xec: {  	[sflag:s6] =	ssyncadd.s32 $0xFFFFFF80  }
0xed: {  	_ =	swait.ge [sflag:s6], $0x80  }
0xee: {  	[sflag:s6] =	ssyncset.done $0x0  }
0xef: {  	[sflag:s6] =	ssyncadd.s32 $0xFFFFFF80  }
0xf0: {  	_ =	swait.ge [sflag:s6], $0x80  }
0xf1: {  	[sflag:s6] =	ssyncset.done $0x0  }
0xf2: {  	[sflag:s6] =	ssyncadd.s32 $0xFFFFFF80  }
0xf3: {  	_ =	swait.ge [sflag:s6], $0x80  }
0xf4: {  	[sflag:s6] =	ssyncset.done $0x0  }
0xf5: {  	[sflag:s6] =	ssyncadd.s32 $0xFFFFFF80  }
0xf6: {  	_ =	swait.ge [sflag:s6], $0x80  }
0xf7: {  	[sflag:s6] =	ssyncset.done $0x0  }
0xf8: {  	[sflag:s6] =	ssyncadd.s32 $0xFFFFFF80  }
0xf9: {  	_ =	swait.ge [sflag:s6], $0x80  }
0xfa: {  	[sflag:s6] =	ssyncset.done $0x0  }
0xfb: {  	[sflag:s6] =	ssyncadd.s32 $0xFFFFFF80  }
0xfc: {  	_ =	swait.ge [sflag:s6], $0x80  }
0xfd: {  	[sflag:s6] =	ssyncset.done $0x0  }
0xfe: {  	[sflag:s6] =	ssyncadd.s32 $0xFFFFFF80  }
0xff: {  	_ =	swait.ge [sflag:s6], $0x80  }
0x100: {  	[sflag:s6] =	ssyncset.done $0x0  }
0x101: {  	[sflag:s6] =	ssyncadd.s32 $0xFFFFFF80  }
0x102: {  	_ =	swait.ge [sflag:s6], $0x80  }
0x103: {  	[sflag:s6] =	ssyncset.done $0x0  }
0x104: {  	[sflag:s6] =	ssyncadd.s32 $0xFFFFFF80  }
0x105: {  	_ =	swait.ge [sflag:s6], $0x80  }
0x106: {  	[sflag:s6] =	ssyncset.done $0x0  }
0x107: {  	[sflag:s6] =	ssyncadd.s32 $0xFFFFFF80  }
0x108: {  	_ =	swait.ge [sflag:s6], $0x80  }
0x109: {  	[sflag:s6] =	ssyncset.done $0x0  }
0x10a: {  	[sflag:s6] =	ssyncadd.s32 $0xFFFFFF80  }
0x10b: {  	_ =	swait.ge [sflag:s6], $0x80  }
0x10c: {  	[sflag:s6] =	ssyncset.done $0x0  }
0x10d: {  	[sflag:s6] =	ssyncadd.s32 $0xFFFFFF80  }
0x10e: {  	_ =	swait.ge [sflag:s6], $0x80  }
0x10f: {  	[sflag:s6] =	ssyncset.done $0x0  }
0x110: {  	[sflag:s6] =	ssyncadd.s32 $0xFFFFFF80  }
0x111: {  	_ =	swait.ge [sflag:s6], $0x80  }
0x112: {  	[sflag:s6] =	ssyncset.done $0x0  }
0x113: {  	[sflag:s6] =	ssyncadd.s32 $0xFFFFFF80  }
0x114: {  	_ =	swait.ge [sflag:s6], $0x80  }
0x115: {  	[sflag:s6] =	ssyncset.done $0x0  }
0x116: {  	[sflag:s6] =	ssyncadd.s32 $0xFFFFFF80  }
0x117: {  	[hbm4b:s3+s5] =	stream.strided.scatter [tilespmem:s4], [sflag:$0x2], $0x800, s4, s5, $0x38;
	[tilespmem:$0xC00] =	vst v63  }
0x118: {  	_ =	swait.ge [sflag:s2], $0x800  }
0x119: {  	[sflag:s2] =	ssyncset.done $0x0  }
0x11a: {  	[sflag:s2] =	ssyncadd.s32 $0xFFFFF800  }
0x11b: {  	_ =	sfence.sel $0x180000  }
0x11c: {  	[bflag:$0x0] =	sbarrier.arrive $0xFFFF  }
0x11d: {  	_ =	strace $0x90000047  }
0x11e: {  	s0 =	stileid.u32;
	[bflag:$0x2] =	sbarrier.arrive $0xFFFF  }
0x11f: {  	p0 =	sne.s32 s0, $0x0;
	s0 =	rddreg [dreg:$0x2]  }
0x120: {  	s0 =	sadd.s32 @!p0 $0x100000, s0  }
0x121: {  	[sflag:s0] =	ssyncadd.tile.s32 @!p0 $0x1;
	_ =	shalt  }
.Lfunc_end2:
_tile_overlayer_lowered:
.L_overlay_start_2:
0x122: {  	(tag) =	ssettag $0x2  }
0x123: {  	s0 =	rddreg [dreg:$0x0];
	s2 =	stileid.u32  }
0x124: {  	s1 =	rddreg [dreg:$0x1];
	p0 =	sne.s32 s2, $0x0  }
0x125: {  	s3 =	rddreg [dreg:$0x2];
	[bflag:$0x3] =	sbarrier.arrive $0xFFFF;
	s2 =	simm.s32 @!p0 $0x1C02  }
0x126: {  	[timem:s3], [sflag:s2] =	dma.local @!p0 [hbm:s0], s1  }
0x127: {  	s0 =	simm.s32 @!p0 $0x2  }
0x128: {  	_ =	swait.ge @!p0 [sflag:s0], s1  }
0x129: {  	s1 =	ssub.s32 @!p0 $0x0, s1;
	[sflag:s0] =	ssyncset.done @!p0 $0x0  }
0x12a: {  	[sflag:s0] =	ssyncadd.s32 @!p0 s1  }
0x12b: {  	[bflag:$0x3] =	sbarrier.arrive $0xFFFF  }
0x12c: {  	_ =	shalt  }

</sc_bundles>
